<compile_context>
chip_gen: v7x
topology: tpu7x:2x2x1
jax: 0.10.2.dev20260603
libtpu: 0.0.44.dev20260713+nightly
codegen_flags: <defaults>
</compile_context>

<pallas_src>
import functools

import jax
import jax.numpy as jnp
from jax import lax
from jax.experimental import pallas as pl
from jax.experimental.pallas import tpu as pltpu
from jax.experimental.pallas import tpu_sc as plsc

BATCH = 4096
HIST = 50
DIM = 128
TOTAL = BATCH * HIST
CATE_VOCAB = 1000

_info = plsc.get_sparse_core_info()
_NC, _NS = _info.num_cores, _info.num_subcores
_NW = _NC * _NS
_PER_W = TOTAL // _NW
_CHUNK = 64
_NCHUNK = _PER_W // _CHUNK
_NBUF = 10
_NGROUP = _NCHUNK // _NBUF

_mesh = plsc.VectorSubcoreMesh(core_axis_name="c", subcore_axis_name="s")


@functools.partial(
    pl.kernel,
    mesh=_mesh,
    out_type=(
        jax.ShapeDtypeStruct((TOTAL, DIM), jnp.float32),
        jax.ShapeDtypeStruct((TOTAL, DIM), jnp.float32),
    ),
    scratch_types=(
        [pltpu.VMEM((_PER_W,), jnp.int32)]
        + [pltpu.VMEM((_CHUNK, DIM), jnp.float32) for _ in range(_NBUF)]
        + [pltpu.VMEM_SHARED((CATE_VOCAB, DIM), jnp.float32)]
        + [pltpu.SemaphoreType.DMA for _ in range(2 * _NBUF + 1)]
    ),
)
def _gather_kernel(idx_item_hbm, idx_cate_hbm, item_tab_hbm, cate_tab_hbm,
                   out_item_hbm, out_cate_hbm, idx_v, *bufs_and_sems):
    rows = bufs_and_sems[:_NBUF]
    cate_spmem = bufs_and_sems[_NBUF]
    gsem = bufs_and_sems[_NBUF + 1:2 * _NBUF + 1]
    ssem = bufs_and_sems[2 * _NBUF + 1:3 * _NBUF + 1]
    stsem = bufs_and_sems[3 * _NBUF + 1]
    sid = lax.axis_index("s")
    wid = sid * _NC + lax.axis_index("c")
    base = wid * _PER_W

    def do_table(idx_hbm, tab, out_hbm):
        pltpu.sync_copy(idx_hbm.at[pl.ds(base, _PER_W)], idx_v)

        def gather_desc(i, b):
            off = pl.multiple_of(i * _CHUNK, _CHUNK)
            return pltpu.make_async_copy(
                tab.at[idx_v.at[pl.ds(off, _CHUNK)]], rows[b], gsem[b])

        def store_desc(i, b):
            off = pl.multiple_of(base + i * _CHUNK, _CHUNK)
            return pltpu.make_async_copy(
                rows[b], out_hbm.at[pl.ds(off, _CHUNK)], ssem[b])

        for b in range(_NBUF - 1):
            gather_desc(b, b).start()

        def body(q, carry):
            for b in range(_NBUF):
                i = q * _NBUF + b
                gather_desc(i, b).wait()
                store_desc(i, b).start()
                nb = (b + _NBUF - 1) % _NBUF
                if b == 0:
                    @pl.when(q > 0)
                    def _():
                        store_desc(i - 1, nb).wait()
                        gather_desc(i + _NBUF - 1, nb).start()
                    @pl.when(q == 0)
                    def _():
                        gather_desc(i + _NBUF - 1, nb).start()
                else:
                    store_desc(i - 1, nb).wait()
                    @pl.when(i + _NBUF - 1 < _NCHUNK)
                    def _():
                        gather_desc(i + _NBUF - 1, nb).start()
            return carry

        lax.fori_loop(0, _NGROUP, body, 0)
        store_desc(_NCHUNK - 1, (_NCHUNK - 1) % _NBUF).wait()

    stage = pltpu.make_async_copy(cate_tab_hbm, cate_spmem, stsem)

    @pl.when(sid == 0)
    def _():
        stage.start()

    do_table(idx_item_hbm, item_tab_hbm, out_item_hbm)

    @pl.when(sid == 0)
    def _():
        stage.wait()

    plsc.subcore_barrier()
    do_table(idx_cate_hbm, cate_spmem, out_cate_hbm)


def kernel(indices_item, indices_cate, item_table, cate_table):
    item_vals, cate_vals = _gather_kernel(
        indices_item.reshape(-1), indices_cate.reshape(-1),
        item_table, cate_table)
    return item_vals, cate_vals

# --- scband reference (transcript-rebuilt; emitter-appended) ---
"""Pipeline reference for scband-inference-embedding-82806969467411 (READ-ONLY COPY).

The authoritative reference and input builder live on the scoring server;
editing this copy changes nothing except your own understanding.
"""

import jax, jax.numpy as jnp
import numpy as np

BATCH = 4096
HIST = 50
ITEM_VOCAB = 100000
CATE_VOCAB = 1000
DIM = 128


def setup_inputs(seed: int = 0) -> dict:
    key = jax.random.key(seed)
    k1, k2, k3, k4 = jax.random.split(key, 4)
    indices_item = jax.random.randint(k1, (BATCH, HIST), 0, ITEM_VOCAB, dtype=jnp.int32)
    indices_cate = jax.random.randint(k2, (BATCH, HIST), 0, CATE_VOCAB, dtype=jnp.int32)
    item_table = jax.random.normal(k3, (ITEM_VOCAB, DIM), dtype=jnp.float32) * 0.02
    cate_table = jax.random.normal(k4, (CATE_VOCAB, DIM), dtype=jnp.float32) * 0.02
    return {
        "indices_item": indices_item,
        "indices_cate": indices_cate,
        "item_table": item_table,
        "cate_table": cate_table,
    }


def reference(indices_item, indices_cate, item_table, cate_table):
    # KeyedJaggedTensor with keys ['item_id', 'cate_id']; each key has BATCH
    # bags of length HIST. The EmbeddingCollection returns per-key JaggedTensor
    # values of shape [total_values_for_key, DIM] (no pooling, sequence embeddings).
    item_vals = jnp.take(item_table, indices_item.reshape(-1), axis=0)
    cate_vals = jnp.take(cate_table, indices_cate.reshape(-1), axis=0)
    # Dict[str, JaggedTensor] -> return the .values() tensors in key order.
    return (item_vals, cate_vals)

if __name__ == "__main__":
    import jax
    _d = setup_inputs()
    print(jax.jit(kernel)(*tuple(_d.values())))

</pallas_src>

<mosaic_0001>
#map = affine_map<(d0, d1) -> (0)>
#map1 = affine_map<(d0, d1) -> (0, 0)>
module attributes {stable_mosaic.version = 14 : i64} {
  func.func @_gather_kernel(%arg0: i32, %arg1: i32, %arg2: memref<204800xi32, #tpu.memory_space<hbm>>, %arg3: memref<204800xi32, #tpu.memory_space<hbm>>, %arg4: memref<100000x128xf32, #tpu.memory_space<hbm>>, %arg5: memref<1000x128xf32, #tpu.memory_space<hbm>>, %arg6: memref<204800x128xf32, #tpu.memory_space<hbm>>, %arg7: memref<204800x128xf32, #tpu.memory_space<hbm>>, %arg8: memref<6400xi32, #tpu.memory_space<vmem>>, %arg9: memref<64x128xf32, #tpu.memory_space<vmem>>, %arg10: memref<64x128xf32, #tpu.memory_space<vmem>>, %arg11: memref<64x128xf32, #tpu.memory_space<vmem>>, %arg12: memref<64x128xf32, #tpu.memory_space<vmem>>, %arg13: memref<64x128xf32, #tpu.memory_space<vmem>>, %arg14: memref<64x128xf32, #tpu.memory_space<vmem>>, %arg15: memref<64x128xf32, #tpu.memory_space<vmem>>, %arg16: memref<64x128xf32, #tpu.memory_space<vmem>>, %arg17: memref<64x128xf32, #tpu.memory_space<vmem>>, %arg18: memref<64x128xf32, #tpu.memory_space<vmem>>, %arg19: memref<1000x128xf32, #tpu.memory_space<vmem_shared>>, %arg20: memref<!tpu.dma_semaphore, #tpu.memory_space<semaphore_mem>>, %arg21: memref<!tpu.dma_semaphore, #tpu.memory_space<semaphore_mem>>, %arg22: memref<!tpu.dma_semaphore, #tpu.memory_space<semaphore_mem>>, %arg23: memref<!tpu.dma_semaphore, #tpu.memory_space<semaphore_mem>>, %arg24: memref<!tpu.dma_semaphore, #tpu.memory_space<semaphore_mem>>, %arg25: memref<!tpu.dma_semaphore, #tpu.memory_space<semaphore_mem>>, %arg26: memref<!tpu.dma_semaphore, #tpu.memory_space<semaphore_mem>>, %arg27: memref<!tpu.dma_semaphore, #tpu.memory_space<semaphore_mem>>, %arg28: memref<!tpu.dma_semaphore, #tpu.memory_space<semaphore_mem>>, %arg29: memref<!tpu.dma_semaphore, #tpu.memory_space<semaphore_mem>>, %arg30: memref<!tpu.dma_semaphore, #tpu.memory_space<semaphore_mem>>, %arg31: memref<!tpu.dma_semaphore, #tpu.memory_space<semaphore_mem>>, %arg32: memref<!tpu.dma_semaphore, #tpu.memory_space<semaphore_mem>>, %arg33: memref<!tpu.dma_semaphore, #tpu.memory_space<semaphore_mem>>, %arg34: memref<!tpu.dma_semaphore, #tpu.memory_space<semaphore_mem>>, %arg35: memref<!tpu.dma_semaphore, #tpu.memory_space<semaphore_mem>>, %arg36: memref<!tpu.dma_semaphore, #tpu.memory_space<semaphore_mem>>, %arg37: memref<!tpu.dma_semaphore, #tpu.memory_space<semaphore_mem>>, %arg38: memref<!tpu.dma_semaphore, #tpu.memory_space<semaphore_mem>>, %arg39: memref<!tpu.dma_semaphore, #tpu.memory_space<semaphore_mem>>, %arg40: memref<!tpu.dma_semaphore, #tpu.memory_space<semaphore_mem>>) attributes {dimension_semantics = [#tpu.dimension_semantics<core_parallel>, #tpu.dimension_semantics<subcore_parallel>], iteration_bounds = array<i64: 2, 16>, scalar_prefetch = 0 : i64, scratch_operands = 33 : i64, tpu.core_type = #tpu.core_type<sc_vector_subcore>, window_params = [{transform_indices = #map}, {transform_indices = #map}, {transform_indices = #map1}, {transform_indices = #map1}, {transform_indices = #map1}, {transform_indices = #map1}]} {
    %mul3A = arith.constant 2 : i32
    %mul3A_0 = arith.muli %arg1, %mul3A : i32
    %add3A = arith.addi %mul3A_0, %arg0 : i32
    %mul3A_1 = arith.constant 6400 : i32
    %mul3A_2 = arith.muli %add3A, %mul3A_1 : i32
    %eq3A = arith.constant 0 : i32
    %eq3A_3 = arith.cmpi eq, %arg1, %eq3A : i32
    %convert_element_type3A = arith.extui %eq3A_3 : i1 to i32
    %cond3A = arith.constant 0 : i32
    %cond3A_4 = arith.cmpi ne, %convert_element_type3A, %cond3A : i32
    scf.if %cond3A_4 {
      tpu.enqueue_dma source(%arg5 : memref<1000x128xf32, #tpu.memory_space<hbm>>) target(%arg19 : memref<1000x128xf32, #tpu.memory_space<vmem_shared>>) target_semaphore(%arg40 : memref<!tpu.dma_semaphore, #tpu.memory_space<semaphore_mem>>)
    } else {
    }
    "tpu.region"() ({
      %run_scoped3A = tpu.sem_alloc : memref<!tpu.dma_semaphore, #tpu.memory_space<semaphore_mem>>
      %dma_start3A_140 = tpu.memref_slice %arg2[%mul3A_2] : memref<204800xi32, #tpu.memory_space<hbm>> -> memref<6400xi32, #tpu.memory_space<hbm>>
      %dma_start3A_141 = tpu.memref_slice %arg2[%mul3A_2] : memref<204800xi32, #tpu.memory_space<hbm>> -> memref<6400xi32, #tpu.memory_space<hbm>>
      tpu.enqueue_dma source(%dma_start3A_141 : memref<6400xi32, #tpu.memory_space<hbm>>) target(%arg8 : memref<6400xi32, #tpu.memory_space<vmem>>) target_semaphore(%run_scoped3A : memref<!tpu.dma_semaphore, #tpu.memory_space<semaphore_mem>>)
      %dma_wait3A_142 = tpu.memref_slice %arg2[%mul3A_2] : memref<204800xi32, #tpu.memory_space<hbm>> -> memref<6400xi32, #tpu.memory_space<hbm>>
      %dma_wait3A_143 = tpu.memref_slice %arg2[%mul3A_2] : memref<204800xi32, #tpu.memory_space<hbm>> -> memref<6400xi32, #tpu.memory_space<hbm>>
      tpu.wait_dma2 semaphore(%run_scoped3A : memref<!tpu.dma_semaphore, #tpu.memory_space<semaphore_mem>>) src(%dma_wait3A_143 : memref<6400xi32, #tpu.memory_space<hbm>>) dst(%arg8 : memref<6400xi32, #tpu.memory_space<vmem>>)
      tpu.yield
    }) : () -> ()
    %multiple_of3A = arith.constant 0 : i32
    %multiple_of3A_5 = tpu.assume_multiple %multiple_of3A, 64 : i32
    %dma_start3A = tpu.memref_slice %arg8[%multiple_of3A_5] : memref<6400xi32, #tpu.memory_space<vmem>> -> memref<64xi32, #tpu.memory_space<vmem>>
    %dma_start3A_6 = arith.constant 0 : i32
    %dma_start3A_7 = arith.constant 0 : i32
    %dma_start3A_8 = tpu.memref_slice %arg4[%dma_start3A_6, %dma_start3A_7] : memref<100000x128xf32, #tpu.memory_space<hbm>> -> memref<100000x128xf32, #tpu.memory_space<hbm>>
    tpu.enqueue_indirect_dma source(%dma_start3A_8 : memref<100000x128xf32, #tpu.memory_space<hbm>>) target(%arg9 : memref<64x128xf32, #tpu.memory_space<vmem>>) offsets(%dma_start3A : memref<64xi32, #tpu.memory_space<vmem>>) semaphore(%arg20 : memref<!tpu.dma_semaphore, #tpu.memory_space<semaphore_mem>>)
    %multiple_of3A_9 = arith.constant 64 : i32
    %multiple_of3A_10 = tpu.assume_multiple %multiple_of3A_9, 64 : i32
    %dma_start3A_11 = tpu.memref_slice %arg8[%multiple_of3A_10] : memref<6400xi32, #tpu.memory_space<vmem>> -> memref<64xi32, #tpu.memory_space<vmem>>
    %dma_start3A_12 = arith.constant 0 : i32
    %dma_start3A_13 = arith.constant 0 : i32
    %dma_start3A_14 = tpu.memref_slice %arg4[%dma_start3A_12, %dma_start3A_13] : memref<100000x128xf32, #tpu.memory_space<hbm>> -> memref<100000x128xf32, #tpu.memory_space<hbm>>
    tpu.enqueue_indirect_dma source(%dma_start3A_14 : memref<100000x128xf32, #tpu.memory_space<hbm>>) target(%arg10 : memref<64x128xf32, #tpu.memory_space<vmem>>) offsets(%dma_start3A_11 : memref<64xi32, #tpu.memory_space<vmem>>) semaphore(%arg21 : memref<!tpu.dma_semaphore, #tpu.memory_space<semaphore_mem>>)
    %multiple_of3A_15 = arith.constant 128 : i32
    %multiple_of3A_16 = tpu.assume_multiple %multiple_of3A_15, 64 : i32
    %dma_start3A_17 = tpu.memref_slice %arg8[%multiple_of3A_16] : memref<6400xi32, #tpu.memory_space<vmem>> -> memref<64xi32, #tpu.memory_space<vmem>>
    %dma_start3A_18 = arith.constant 0 : i32
    %dma_start3A_19 = arith.constant 0 : i32
    %dma_start3A_20 = tpu.memref_slice %arg4[%dma_start3A_18, %dma_start3A_19] : memref<100000x128xf32, #tpu.memory_space<hbm>> -> memref<100000x128xf32, #tpu.memory_space<hbm>>
    tpu.enqueue_indirect_dma source(%dma_start3A_20 : memref<100000x128xf32, #tpu.memory_space<hbm>>) target(%arg11 : memref<64x128xf32, #tpu.memory_space<vmem>>) offsets(%dma_start3A_17 : memref<64xi32, #tpu.memory_space<vmem>>) semaphore(%arg22 : memref<!tpu.dma_semaphore, #tpu.memory_space<semaphore_mem>>)
    %multiple_of3A_21 = arith.constant 192 : i32
    %multiple_of3A_22 = tpu.assume_multiple %multiple_of3A_21, 64 : i32
    %dma_start3A_23 = tpu.memref_slice %arg8[%multiple_of3A_22] : memref<6400xi32, #tpu.memory_space<vmem>> -> memref<64xi32, #tpu.memory_space<vmem>>
    %dma_start3A_24 = arith.constant 0 : i32
    %dma_start3A_25 = arith.constant 0 : i32
    %dma_start3A_26 = tpu.memref_slice %arg4[%dma_start3A_24, %dma_start3A_25] : memref<100000x128xf32, #tpu.memory_space<hbm>> -> memref<100000x128xf32, #tpu.memory_space<hbm>>
    tpu.enqueue_indirect_dma source(%dma_start3A_26 : memref<100000x128xf32, #tpu.memory_space<hbm>>) target(%arg12 : memref<64x128xf32, #tpu.memory_space<vmem>>) offsets(%dma_start3A_23 : memref<64xi32, #tpu.memory_space<vmem>>) semaphore(%arg23 : memref<!tpu.dma_semaphore, #tpu.memory_space<semaphore_mem>>)
    %multiple_of3A_27 = arith.constant 256 : i32
    %multiple_of3A_28 = tpu.assume_multiple %multiple_of3A_27, 64 : i32
    %dma_start3A_29 = tpu.memref_slice %arg8[%multiple_of3A_28] : memref<6400xi32, #tpu.memory_space<vmem>> -> memref<64xi32, #tpu.memory_space<vmem>>
    %dma_start3A_30 = arith.constant 0 : i32
    %dma_start3A_31 = arith.constant 0 : i32
    %dma_start3A_32 = tpu.memref_slice %arg4[%dma_start3A_30, %dma_start3A_31] : memref<100000x128xf32, #tpu.memory_space<hbm>> -> memref<100000x128xf32, #tpu.memory_space<hbm>>
    tpu.enqueue_indirect_dma source(%dma_start3A_32 : memref<100000x128xf32, #tpu.memory_space<hbm>>) target(%arg13 : memref<64x128xf32, #tpu.memory_space<vmem>>) offsets(%dma_start3A_29 : memref<64xi32, #tpu.memory_space<vmem>>) semaphore(%arg24 : memref<!tpu.dma_semaphore, #tpu.memory_space<semaphore_mem>>)
    %multiple_of3A_33 = arith.constant 320 : i32
    %multiple_of3A_34 = tpu.assume_multiple %multiple_of3A_33, 64 : i32
    %dma_start3A_35 = tpu.memref_slice %arg8[%multiple_of3A_34] : memref<6400xi32, #tpu.memory_space<vmem>> -> memref<64xi32, #tpu.memory_space<vmem>>
    %dma_start3A_36 = arith.constant 0 : i32
    %dma_start3A_37 = arith.constant 0 : i32
    %dma_start3A_38 = tpu.memref_slice %arg4[%dma_start3A_36, %dma_start3A_37] : memref<100000x128xf32, #tpu.memory_space<hbm>> -> memref<100000x128xf32, #tpu.memory_space<hbm>>
    tpu.enqueue_indirect_dma source(%dma_start3A_38 : memref<100000x128xf32, #tpu.memory_space<hbm>>) target(%arg14 : memref<64x128xf32, #tpu.memory_space<vmem>>) offsets(%dma_start3A_35 : memref<64xi32, #tpu.memory_space<vmem>>) semaphore(%arg25 : memref<!tpu.dma_semaphore, #tpu.memory_space<semaphore_mem>>)
    %multiple_of3A_39 = arith.constant 384 : i32
    %multiple_of3A_40 = tpu.assume_multiple %multiple_of3A_39, 64 : i32
    %dma_start3A_41 = tpu.memref_slice %arg8[%multiple_of3A_40] : memref<6400xi32, #tpu.memory_space<vmem>> -> memref<64xi32, #tpu.memory_space<vmem>>
    %dma_start3A_42 = arith.constant 0 : i32
    %dma_start3A_43 = arith.constant 0 : i32
    %dma_start3A_44 = tpu.memref_slice %arg4[%dma_start3A_42, %dma_start3A_43] : memref<100000x128xf32, #tpu.memory_space<hbm>> -> memref<100000x128xf32, #tpu.memory_space<hbm>>
    tpu.enqueue_indirect_dma source(%dma_start3A_44 : memref<100000x128xf32, #tpu.memory_space<hbm>>) target(%arg15 : memref<64x128xf32, #tpu.memory_space<vmem>>) offsets(%dma_start3A_41 : memref<64xi32, #tpu.memory_space<vmem>>) semaphore(%arg26 : memref<!tpu.dma_semaphore, #tpu.memory_space<semaphore_mem>>)
    %multiple_of3A_45 = arith.constant 448 : i32
    %multiple_of3A_46 = tpu.assume_multiple %multiple_of3A_45, 64 : i32
    %dma_start3A_47 = tpu.memref_slice %arg8[%multiple_of3A_46] : memref<6400xi32, #tpu.memory_space<vmem>> -> memref<64xi32, #tpu.memory_space<vmem>>
    %dma_start3A_48 = arith.constant 0 : i32
    %dma_start3A_49 = arith.constant 0 : i32
    %dma_start3A_50 = tpu.memref_slice %arg4[%dma_start3A_48, %dma_start3A_49] : memref<100000x128xf32, #tpu.memory_space<hbm>> -> memref<100000x128xf32, #tpu.memory_space<hbm>>
    tpu.enqueue_indirect_dma source(%dma_start3A_50 : memref<100000x128xf32, #tpu.memory_space<hbm>>) target(%arg16 : memref<64x128xf32, #tpu.memory_space<vmem>>) offsets(%dma_start3A_47 : memref<64xi32, #tpu.memory_space<vmem>>) semaphore(%arg27 : memref<!tpu.dma_semaphore, #tpu.memory_space<semaphore_mem>>)
    %multiple_of3A_51 = arith.constant 512 : i32
    %multiple_of3A_52 = tpu.assume_multiple %multiple_of3A_51, 64 : i32
    %dma_start3A_53 = tpu.memref_slice %arg8[%multiple_of3A_52] : memref<6400xi32, #tpu.memory_space<vmem>> -> memref<64xi32, #tpu.memory_space<vmem>>
    %dma_start3A_54 = arith.constant 0 : i32
    %dma_start3A_55 = arith.constant 0 : i32
    %dma_start3A_56 = tpu.memref_slice %arg4[%dma_start3A_54, %dma_start3A_55] : memref<100000x128xf32, #tpu.memory_space<hbm>> -> memref<100000x128xf32, #tpu.memory_space<hbm>>
    tpu.enqueue_indirect_dma source(%dma_start3A_56 : memref<100000x128xf32, #tpu.memory_space<hbm>>) target(%arg17 : memref<64x128xf32, #tpu.memory_space<vmem>>) offsets(%dma_start3A_53 : memref<64xi32, #tpu.memory_space<vmem>>) semaphore(%arg28 : memref<!tpu.dma_semaphore, #tpu.memory_space<semaphore_mem>>)
    %scan3A = arith.constant 0 : i32
    %scan3A_57 = arith.constant 0 : i32
    %scan3A_58 = arith.constant 10 : i32
    %scan3A_59 = arith.addi %scan3A_57, %scan3A_58 : i32
    %scan3A_60 = arith.constant 1 : i32
    scf.for %scan3A_140 = %scan3A_57 to %scan3A_59 step %scan3A_60  : i32 {
      %mul3A_141 = arith.constant 10 : i32
      %mul3A_142 = arith.muli %scan3A_140, %mul3A_141 : i32
      %add3A_143 = arith.constant 0 : i32
      %add3A_144 = arith.addi %mul3A_142, %add3A_143 : i32
      %mul3A_145 = arith.constant 64 : i32
      %mul3A_146 = arith.muli %add3A_144, %mul3A_145 : i32
      %multiple_of3A_147 = tpu.assume_multiple %mul3A_146, 64 : i32
      %dma_wait3A_148 = tpu.memref_slice %arg8[%multiple_of3A_147] : memref<6400xi32, #tpu.memory_space<vmem>> -> memref<64xi32, #tpu.memory_space<vmem>>
      %dma_wait3A_149 = arith.constant 0 : i32
      %dma_wait3A_150 = arith.constant 0 : i32
      %dma_wait3A_151 = tpu.memref_slice %arg4[%dma_wait3A_149, %dma_wait3A_150] : memref<100000x128xf32, #tpu.memory_space<hbm>> -> memref<100000x128xf32, #tpu.memory_space<hbm>>
      tpu.wait_indirect_dma semaphore(%arg20 : memref<!tpu.dma_semaphore, #tpu.memory_space<semaphore_mem>>) src(%dma_wait3A_151 : memref<100000x128xf32, #tpu.memory_space<hbm>>) dst(%arg9 : memref<64x128xf32, #tpu.memory_space<vmem>>)
      %mul3A_152 = arith.constant 64 : i32
      %mul3A_153 = arith.muli %add3A_144, %mul3A_152 : i32
      %add3A_154 = arith.addi %mul3A_2, %mul3A_153 : i32
      %multiple_of3A_155 = tpu.assume_multiple %add3A_154, 64 : i32
      %dma_start3A_156 = arith.constant 0 : i32
      %dma_start3A_157 = tpu.memref_slice %arg6[%multiple_of3A_155, %dma_start3A_156] : memref<204800x128xf32, #tpu.memory_space<hbm>> -> memref<64x128xf32, #tpu.memory_space<hbm>>
      %dma_start3A_158 = arith.constant 0 : i32
      %dma_start3A_159 = tpu.memref_slice %arg6[%multiple_of3A_155, %dma_start3A_158] : memref<204800x128xf32, #tpu.memory_space<hbm>> -> memref<64x128xf32, #tpu.memory_space<hbm>>
      tpu.enqueue_dma source(%arg9 : memref<64x128xf32, #tpu.memory_space<vmem>>) target(%dma_start3A_159 : memref<64x128xf32, #tpu.memory_space<hbm>>) target_semaphore(%arg30 : memref<!tpu.dma_semaphore, #tpu.memory_space<semaphore_mem>>)
      %gt3A = arith.constant 0 : i32
      %gt3A_160 = arith.cmpi sgt, %scan3A_140, %gt3A : i32
      %convert_element_type3A_161 = arith.extui %gt3A_160 : i1 to i32
      %cond3A_162 = arith.constant 0 : i32
      %cond3A_163 = arith.cmpi ne, %convert_element_type3A_161, %cond3A_162 : i32
      scf.if %cond3A_163 {
        %sub3A_509 = arith.constant 1 : i32
        %sub3A_510 = arith.subi %add3A_144, %sub3A_509 : i32
        %mul3A_511 = arith.constant 64 : i32
        %mul3A_512 = arith.muli %sub3A_510, %mul3A_511 : i32
        %add3A_513 = arith.addi %mul3A_2, %mul3A_512 : i32
        %multiple_of3A_514 = tpu.assume_multiple %add3A_513, 64 : i32
        %dma_wait3A_515 = arith.constant 0 : i32
        %dma_wait3A_516 = tpu.memref_slice %arg6[%multiple_of3A_514, %dma_wait3A_515] : memref<204800x128xf32, #tpu.memory_space<hbm>> -> memref<64x128xf32, #tpu.memory_space<hbm>>
        %dma_wait3A_517 = arith.constant 0 : i32
        %dma_wait3A_518 = tpu.memref_slice %arg6[%multiple_of3A_514, %dma_wait3A_517] : memref<204800x128xf32, #tpu.memory_space<hbm>> -> memref<64x128xf32, #tpu.memory_space<hbm>>
        tpu.wait_dma2 semaphore(%arg39 : memref<!tpu.dma_semaphore, #tpu.memory_space<semaphore_mem>>) src(%arg18 : memref<64x128xf32, #tpu.memory_space<vmem>>) dst(%dma_wait3A_518 : memref<64x128xf32, #tpu.memory_space<hbm>>)
        %add3A_519 = arith.constant 10 : i32
        %add3A_520 = arith.addi %add3A_144, %add3A_519 : i32
        %sub3A_521 = arith.constant 1 : i32
        %sub3A_522 = arith.subi %add3A_520, %sub3A_521 : i32
        %mul3A_523 = arith.constant 64 : i32
        %mul3A_524 = arith.muli %sub3A_522, %mul3A_523 : i32
        %multiple_of3A_525 = tpu.assume_multiple %mul3A_524, 64 : i32
        %dma_start3A_526 = tpu.memref_slice %arg8[%multiple_of3A_525] : memref<6400xi32, #tpu.memory_space<vmem>> -> memref<64xi32, #tpu.memory_space<vmem>>
        %dma_start3A_527 = arith.constant 0 : i32
        %dma_start3A_528 = arith.constant 0 : i32
        %dma_start3A_529 = tpu.memref_slice %arg4[%dma_start3A_527, %dma_start3A_528] : memref<100000x128xf32, #tpu.memory_space<hbm>> -> memref<100000x128xf32, #tpu.memory_space<hbm>>
        tpu.enqueue_indirect_dma source(%dma_start3A_529 : memref<100000x128xf32, #tpu.memory_space<hbm>>) target(%arg18 : memref<64x128xf32, #tpu.memory_space<vmem>>) offsets(%dma_start3A_526 : memref<64xi32, #tpu.memory_space<vmem>>) semaphore(%arg29 : memref<!tpu.dma_semaphore, #tpu.memory_space<semaphore_mem>>)
      } else {
      }
      %eq3A_164 = arith.constant 0 : i32
      %eq3A_165 = arith.cmpi eq, %scan3A_140, %eq3A_164 : i32
      %convert_element_type3A_166 = arith.extui %eq3A_165 : i1 to i32
      %cond3A_167 = arith.constant 0 : i32
      %cond3A_168 = arith.cmpi ne, %convert_element_type3A_166, %cond3A_167 : i32
      scf.if %cond3A_168 {
        %add3A_509 = arith.constant 10 : i32
        %add3A_510 = arith.addi %add3A_144, %add3A_509 : i32
        %sub3A_511 = arith.constant 1 : i32
        %sub3A_512 = arith.subi %add3A_510, %sub3A_511 : i32
        %mul3A_513 = arith.constant 64 : i32
        %mul3A_514 = arith.muli %sub3A_512, %mul3A_513 : i32
        %multiple_of3A_515 = tpu.assume_multiple %mul3A_514, 64 : i32
        %dma_start3A_516 = tpu.memref_slice %arg8[%multiple_of3A_515] : memref<6400xi32, #tpu.memory_space<vmem>> -> memref<64xi32, #tpu.memory_space<vmem>>
        %dma_start3A_517 = arith.constant 0 : i32
        %dma_start3A_518 = arith.constant 0 : i32
        %dma_start3A_519 = tpu.memref_slice %arg4[%dma_start3A_517, %dma_start3A_518] : memref<100000x128xf32, #tpu.memory_space<hbm>> -> memref<100000x128xf32, #tpu.memory_space<hbm>>
        tpu.enqueue_indirect_dma source(%dma_start3A_519 : memref<100000x128xf32, #tpu.memory_space<hbm>>) target(%arg18 : memref<64x128xf32, #tpu.memory_space<vmem>>) offsets(%dma_start3A_516 : memref<64xi32, #tpu.memory_space<vmem>>) semaphore(%arg29 : memref<!tpu.dma_semaphore, #tpu.memory_space<semaphore_mem>>)
      } else {
      }
      %mul3A_169 = arith.constant 10 : i32
      %mul3A_170 = arith.muli %scan3A_140, %mul3A_169 : i32
      %add3A_171 = arith.constant 1 : i32
      %add3A_172 = arith.addi %mul3A_170, %add3A_171 : i32
      %mul3A_173 = arith.constant 64 : i32
      %mul3A_174 = arith.muli %add3A_172, %mul3A_173 : i32
      %multiple_of3A_175 = tpu.assume_multiple %mul3A_174, 64 : i32
      %dma_wait3A_176 = tpu.memref_slice %arg8[%multiple_of3A_175] : memref<6400xi32, #tpu.memory_space<vmem>> -> memref<64xi32, #tpu.memory_space<vmem>>
      %dma_wait3A_177 = arith.constant 0 : i32
      %dma_wait3A_178 = arith.constant 0 : i32
      %dma_wait3A_179 = tpu.memref_slice %arg4[%dma_wait3A_177, %dma_wait3A_178] : memref<100000x128xf32, #tpu.memory_space<hbm>> -> memref<100000x128xf32, #tpu.memory_space<hbm>>
      tpu.wait_indirect_dma semaphore(%arg21 : memref<!tpu.dma_semaphore, #tpu.memory_space<semaphore_mem>>) src(%dma_wait3A_179 : memref<100000x128xf32, #tpu.memory_space<hbm>>) dst(%arg10 : memref<64x128xf32, #tpu.memory_space<vmem>>)
      %mul3A_180 = arith.constant 64 : i32
      %mul3A_181 = arith.muli %add3A_172, %mul3A_180 : i32
      %add3A_182 = arith.addi %mul3A_2, %mul3A_181 : i32
      %multiple_of3A_183 = tpu.assume_multiple %add3A_182, 64 : i32
      %dma_start3A_184 = arith.constant 0 : i32
      %dma_start3A_185 = tpu.memref_slice %arg6[%multiple_of3A_183, %dma_start3A_184] : memref<204800x128xf32, #tpu.memory_space<hbm>> -> memref<64x128xf32, #tpu.memory_space<hbm>>
      %dma_start3A_186 = arith.constant 0 : i32
      %dma_start3A_187 = tpu.memref_slice %arg6[%multiple_of3A_183, %dma_start3A_186] : memref<204800x128xf32, #tpu.memory_space<hbm>> -> memref<64x128xf32, #tpu.memory_space<hbm>>
      tpu.enqueue_dma source(%arg10 : memref<64x128xf32, #tpu.memory_space<vmem>>) target(%dma_start3A_187 : memref<64x128xf32, #tpu.memory_space<hbm>>) target_semaphore(%arg31 : memref<!tpu.dma_semaphore, #tpu.memory_space<semaphore_mem>>)
      %sub3A = arith.constant 1 : i32
      %sub3A_188 = arith.subi %add3A_172, %sub3A : i32
      %mul3A_189 = arith.constant 64 : i32
      %mul3A_190 = arith.muli %sub3A_188, %mul3A_189 : i32
      %add3A_191 = arith.addi %mul3A_2, %mul3A_190 : i32
      %multiple_of3A_192 = tpu.assume_multiple %add3A_191, 64 : i32
      %dma_wait3A_193 = arith.constant 0 : i32
      %dma_wait3A_194 = tpu.memref_slice %arg6[%multiple_of3A_192, %dma_wait3A_193] : memref<204800x128xf32, #tpu.memory_space<hbm>> -> memref<64x128xf32, #tpu.memory_space<hbm>>
      %dma_wait3A_195 = arith.constant 0 : i32
      %dma_wait3A_196 = tpu.memref_slice %arg6[%multiple_of3A_192, %dma_wait3A_195] : memref<204800x128xf32, #tpu.memory_space<hbm>> -> memref<64x128xf32, #tpu.memory_space<hbm>>
      tpu.wait_dma2 semaphore(%arg30 : memref<!tpu.dma_semaphore, #tpu.memory_space<semaphore_mem>>) src(%arg9 : memref<64x128xf32, #tpu.memory_space<vmem>>) dst(%dma_wait3A_196 : memref<64x128xf32, #tpu.memory_space<hbm>>)
      %add3A_197 = arith.constant 10 : i32
      %add3A_198 = arith.addi %add3A_172, %add3A_197 : i32
      %sub3A_199 = arith.constant 1 : i32
      %sub3A_200 = arith.subi %add3A_198, %sub3A_199 : i32
      %lt3A = arith.constant 100 : i32
      %lt3A_201 = arith.cmpi slt, %sub3A_200, %lt3A : i32
      %convert_element_type3A_202 = arith.extui %lt3A_201 : i1 to i32
      %cond3A_203 = arith.constant 0 : i32
      %cond3A_204 = arith.cmpi ne, %convert_element_type3A_202, %cond3A_203 : i32
      scf.if %cond3A_204 {
        %add3A_509 = arith.constant 10 : i32
        %add3A_510 = arith.addi %add3A_172, %add3A_509 : i32
        %sub3A_511 = arith.constant 1 : i32
        %sub3A_512 = arith.subi %add3A_510, %sub3A_511 : i32
        %mul3A_513 = arith.constant 64 : i32
        %mul3A_514 = arith.muli %sub3A_512, %mul3A_513 : i32
        %multiple_of3A_515 = tpu.assume_multiple %mul3A_514, 64 : i32
        %dma_start3A_516 = tpu.memref_slice %arg8[%multiple_of3A_515] : memref<6400xi32, #tpu.memory_space<vmem>> -> memref<64xi32, #tpu.memory_space<vmem>>
        %dma_start3A_517 = arith.constant 0 : i32
        %dma_start3A_518 = arith.constant 0 : i32
        %dma_start3A_519 = tpu.memref_slice %arg4[%dma_start3A_517, %dma_start3A_518] : memref<100000x128xf32, #tpu.memory_space<hbm>> -> memref<100000x128xf32, #tpu.memory_space<hbm>>
        tpu.enqueue_indirect_dma source(%dma_start3A_519 : memref<100000x128xf32, #tpu.memory_space<hbm>>) target(%arg9 : memref<64x128xf32, #tpu.memory_space<vmem>>) offsets(%dma_start3A_516 : memref<64xi32, #tpu.memory_space<vmem>>) semaphore(%arg20 : memref<!tpu.dma_semaphore, #tpu.memory_space<semaphore_mem>>)
      } else {
      }
      %mul3A_205 = arith.constant 10 : i32
      %mul3A_206 = arith.muli %scan3A_140, %mul3A_205 : i32
      %add3A_207 = arith.constant 2 : i32
      %add3A_208 = arith.addi %mul3A_206, %add3A_207 : i32
      %mul3A_209 = arith.constant 64 : i32
      %mul3A_210 = arith.muli %add3A_208, %mul3A_209 : i32
      %multiple_of3A_211 = tpu.assume_multiple %mul3A_210, 64 : i32
      %dma_wait3A_212 = tpu.memref_slice %arg8[%multiple_of3A_211] : memref<6400xi32, #tpu.memory_space<vmem>> -> memref<64xi32, #tpu.memory_space<vmem>>
      %dma_wait3A_213 = arith.constant 0 : i32
      %dma_wait3A_214 = arith.constant 0 : i32
      %dma_wait3A_215 = tpu.memref_slice %arg4[%dma_wait3A_213, %dma_wait3A_214] : memref<100000x128xf32, #tpu.memory_space<hbm>> -> memref<100000x128xf32, #tpu.memory_space<hbm>>
      tpu.wait_indirect_dma semaphore(%arg22 : memref<!tpu.dma_semaphore, #tpu.memory_space<semaphore_mem>>) src(%dma_wait3A_215 : memref<100000x128xf32, #tpu.memory_space<hbm>>) dst(%arg11 : memref<64x128xf32, #tpu.memory_space<vmem>>)
      %mul3A_216 = arith.constant 64 : i32
      %mul3A_217 = arith.muli %add3A_208, %mul3A_216 : i32
      %add3A_218 = arith.addi %mul3A_2, %mul3A_217 : i32
      %multiple_of3A_219 = tpu.assume_multiple %add3A_218, 64 : i32
      %dma_start3A_220 = arith.constant 0 : i32
      %dma_start3A_221 = tpu.memref_slice %arg6[%multiple_of3A_219, %dma_start3A_220] : memref<204800x128xf32, #tpu.memory_space<hbm>> -> memref<64x128xf32, #tpu.memory_space<hbm>>
      %dma_start3A_222 = arith.constant 0 : i32
      %dma_start3A_223 = tpu.memref_slice %arg6[%multiple_of3A_219, %dma_start3A_222] : memref<204800x128xf32, #tpu.memory_space<hbm>> -> memref<64x128xf32, #tpu.memory_space<hbm>>
      tpu.enqueue_dma source(%arg11 : memref<64x128xf32, #tpu.memory_space<vmem>>) target(%dma_start3A_223 : memref<64x128xf32, #tpu.memory_space<hbm>>) target_semaphore(%arg32 : memref<!tpu.dma_semaphore, #tpu.memory_space<semaphore_mem>>)
      %sub3A_224 = arith.constant 1 : i32
      %sub3A_225 = arith.subi %add3A_208, %sub3A_224 : i32
      %mul3A_226 = arith.constant 64 : i32
      %mul3A_227 = arith.muli %sub3A_225, %mul3A_226 : i32
      %add3A_228 = arith.addi %mul3A_2, %mul3A_227 : i32
      %multiple_of3A_229 = tpu.assume_multiple %add3A_228, 64 : i32
      %dma_wait3A_230 = arith.constant 0 : i32
      %dma_wait3A_231 = tpu.memref_slice %arg6[%multiple_of3A_229, %dma_wait3A_230] : memref<204800x128xf32, #tpu.memory_space<hbm>> -> memref<64x128xf32, #tpu.memory_space<hbm>>
      %dma_wait3A_232 = arith.constant 0 : i32
      %dma_wait3A_233 = tpu.memref_slice %arg6[%multiple_of3A_229, %dma_wait3A_232] : memref<204800x128xf32, #tpu.memory_space<hbm>> -> memref<64x128xf32, #tpu.memory_space<hbm>>
      tpu.wait_dma2 semaphore(%arg31 : memref<!tpu.dma_semaphore, #tpu.memory_space<semaphore_mem>>) src(%arg10 : memref<64x128xf32, #tpu.memory_space<vmem>>) dst(%dma_wait3A_233 : memref<64x128xf32, #tpu.memory_space<hbm>>)
      %add3A_234 = arith.constant 10 : i32
      %add3A_235 = arith.addi %add3A_208, %add3A_234 : i32
      %sub3A_236 = arith.constant 1 : i32
      %sub3A_237 = arith.subi %add3A_235, %sub3A_236 : i32
      %lt3A_238 = arith.constant 100 : i32
      %lt3A_239 = arith.cmpi slt, %sub3A_237, %lt3A_238 : i32
      %convert_element_type3A_240 = arith.extui %lt3A_239 : i1 to i32
      %cond3A_241 = arith.constant 0 : i32
      %cond3A_242 = arith.cmpi ne, %convert_element_type3A_240, %cond3A_241 : i32
      scf.if %cond3A_242 {
        %add3A_509 = arith.constant 10 : i32
        %add3A_510 = arith.addi %add3A_208, %add3A_509 : i32
        %sub3A_511 = arith.constant 1 : i32
        %sub3A_512 = arith.subi %add3A_510, %sub3A_511 : i32
        %mul3A_513 = arith.constant 64 : i32
        %mul3A_514 = arith.muli %sub3A_512, %mul3A_513 : i32
        %multiple_of3A_515 = tpu.assume_multiple %mul3A_514, 64 : i32
        %dma_start3A_516 = tpu.memref_slice %arg8[%multiple_of3A_515] : memref<6400xi32, #tpu.memory_space<vmem>> -> memref<64xi32, #tpu.memory_space<vmem>>
        %dma_start3A_517 = arith.constant 0 : i32
        %dma_start3A_518 = arith.constant 0 : i32
        %dma_start3A_519 = tpu.memref_slice %arg4[%dma_start3A_517, %dma_start3A_518] : memref<100000x128xf32, #tpu.memory_space<hbm>> -> memref<100000x128xf32, #tpu.memory_space<hbm>>
        tpu.enqueue_indirect_dma source(%dma_start3A_519 : memref<100000x128xf32, #tpu.memory_space<hbm>>) target(%arg10 : memref<64x128xf32, #tpu.memory_space<vmem>>) offsets(%dma_start3A_516 : memref<64xi32, #tpu.memory_space<vmem>>) semaphore(%arg21 : memref<!tpu.dma_semaphore, #tpu.memory_space<semaphore_mem>>)
      } else {
      }
      %mul3A_243 = arith.constant 10 : i32
      %mul3A_244 = arith.muli %scan3A_140, %mul3A_243 : i32
      %add3A_245 = arith.constant 3 : i32
      %add3A_246 = arith.addi %mul3A_244, %add3A_245 : i32
      %mul3A_247 = arith.constant 64 : i32
      %mul3A_248 = arith.muli %add3A_246, %mul3A_247 : i32
      %multiple_of3A_249 = tpu.assume_multiple %mul3A_248, 64 : i32
      %dma_wait3A_250 = tpu.memref_slice %arg8[%multiple_of3A_249] : memref<6400xi32, #tpu.memory_space<vmem>> -> memref<64xi32, #tpu.memory_space<vmem>>
      %dma_wait3A_251 = arith.constant 0 : i32
      %dma_wait3A_252 = arith.constant 0 : i32
      %dma_wait3A_253 = tpu.memref_slice %arg4[%dma_wait3A_251, %dma_wait3A_252] : memref<100000x128xf32, #tpu.memory_space<hbm>> -> memref<100000x128xf32, #tpu.memory_space<hbm>>
      tpu.wait_indirect_dma semaphore(%arg23 : memref<!tpu.dma_semaphore, #tpu.memory_space<semaphore_mem>>) src(%dma_wait3A_253 : memref<100000x128xf32, #tpu.memory_space<hbm>>) dst(%arg12 : memref<64x128xf32, #tpu.memory_space<vmem>>)
      %mul3A_254 = arith.constant 64 : i32
      %mul3A_255 = arith.muli %add3A_246, %mul3A_254 : i32
      %add3A_256 = arith.addi %mul3A_2, %mul3A_255 : i32
      %multiple_of3A_257 = tpu.assume_multiple %add3A_256, 64 : i32
      %dma_start3A_258 = arith.constant 0 : i32
      %dma_start3A_259 = tpu.memref_slice %arg6[%multiple_of3A_257, %dma_start3A_258] : memref<204800x128xf32, #tpu.memory_space<hbm>> -> memref<64x128xf32, #tpu.memory_space<hbm>>
      %dma_start3A_260 = arith.constant 0 : i32
      %dma_start3A_261 = tpu.memref_slice %arg6[%multiple_of3A_257, %dma_start3A_260] : memref<204800x128xf32, #tpu.memory_space<hbm>> -> memref<64x128xf32, #tpu.memory_space<hbm>>
      tpu.enqueue_dma source(%arg12 : memref<64x128xf32, #tpu.memory_space<vmem>>) target(%dma_start3A_261 : memref<64x128xf32, #tpu.memory_space<hbm>>) target_semaphore(%arg33 : memref<!tpu.dma_semaphore, #tpu.memory_space<semaphore_mem>>)
      %sub3A_262 = arith.constant 1 : i32
      %sub3A_263 = arith.subi %add3A_246, %sub3A_262 : i32
      %mul3A_264 = arith.constant 64 : i32
      %mul3A_265 = arith.muli %sub3A_263, %mul3A_264 : i32
      %add3A_266 = arith.addi %mul3A_2, %mul3A_265 : i32
      %multiple_of3A_267 = tpu.assume_multiple %add3A_266, 64 : i32
      %dma_wait3A_268 = arith.constant 0 : i32
      %dma_wait3A_269 = tpu.memref_slice %arg6[%multiple_of3A_267, %dma_wait3A_268] : memref<204800x128xf32, #tpu.memory_space<hbm>> -> memref<64x128xf32, #tpu.memory_space<hbm>>
      %dma_wait3A_270 = arith.constant 0 : i32
      %dma_wait3A_271 = tpu.memref_slice %arg6[%multiple_of3A_267, %dma_wait3A_270] : memref<204800x128xf32, #tpu.memory_space<hbm>> -> memref<64x128xf32, #tpu.memory_space<hbm>>
      tpu.wait_dma2 semaphore(%arg32 : memref<!tpu.dma_semaphore, #tpu.memory_space<semaphore_mem>>) src(%arg11 : memref<64x128xf32, #tpu.memory_space<vmem>>) dst(%dma_wait3A_271 : memref<64x128xf32, #tpu.memory_space<hbm>>)
      %add3A_272 = arith.constant 10 : i32
      %add3A_273 = arith.addi %add3A_246, %add3A_272 : i32
      %sub3A_274 = arith.constant 1 : i32
      %sub3A_275 = arith.subi %add3A_273, %sub3A_274 : i32
      %lt3A_276 = arith.constant 100 : i32
      %lt3A_277 = arith.cmpi slt, %sub3A_275, %lt3A_276 : i32
      %convert_element_type3A_278 = arith.extui %lt3A_277 : i1 to i32
      %cond3A_279 = arith.constant 0 : i32
      %cond3A_280 = arith.cmpi ne, %convert_element_type3A_278, %cond3A_279 : i32
      scf.if %cond3A_280 {
        %add3A_509 = arith.constant 10 : i32
        %add3A_510 = arith.addi %add3A_246, %add3A_509 : i32
        %sub3A_511 = arith.constant 1 : i32
        %sub3A_512 = arith.subi %add3A_510, %sub3A_511 : i32
        %mul3A_513 = arith.constant 64 : i32
        %mul3A_514 = arith.muli %sub3A_512, %mul3A_513 : i32
        %multiple_of3A_515 = tpu.assume_multiple %mul3A_514, 64 : i32
        %dma_start3A_516 = tpu.memref_slice %arg8[%multiple_of3A_515] : memref<6400xi32, #tpu.memory_space<vmem>> -> memref<64xi32, #tpu.memory_space<vmem>>
        %dma_start3A_517 = arith.constant 0 : i32
        %dma_start3A_518 = arith.constant 0 : i32
        %dma_start3A_519 = tpu.memref_slice %arg4[%dma_start3A_517, %dma_start3A_518] : memref<100000x128xf32, #tpu.memory_space<hbm>> -> memref<100000x128xf32, #tpu.memory_space<hbm>>
        tpu.enqueue_indirect_dma source(%dma_start3A_519 : memref<100000x128xf32, #tpu.memory_space<hbm>>) target(%arg11 : memref<64x128xf32, #tpu.memory_space<vmem>>) offsets(%dma_start3A_516 : memref<64xi32, #tpu.memory_space<vmem>>) semaphore(%arg22 : memref<!tpu.dma_semaphore, #tpu.memory_space<semaphore_mem>>)
      } else {
      }
      %mul3A_281 = arith.constant 10 : i32
      %mul3A_282 = arith.muli %scan3A_140, %mul3A_281 : i32
      %add3A_283 = arith.constant 4 : i32
      %add3A_284 = arith.addi %mul3A_282, %add3A_283 : i32
      %mul3A_285 = arith.constant 64 : i32
      %mul3A_286 = arith.muli %add3A_284, %mul3A_285 : i32
      %multiple_of3A_287 = tpu.assume_multiple %mul3A_286, 64 : i32
      %dma_wait3A_288 = tpu.memref_slice %arg8[%multiple_of3A_287] : memref<6400xi32, #tpu.memory_space<vmem>> -> memref<64xi32, #tpu.memory_space<vmem>>
      %dma_wait3A_289 = arith.constant 0 : i32
      %dma_wait3A_290 = arith.constant 0 : i32
      %dma_wait3A_291 = tpu.memref_slice %arg4[%dma_wait3A_289, %dma_wait3A_290] : memref<100000x128xf32, #tpu.memory_space<hbm>> -> memref<100000x128xf32, #tpu.memory_space<hbm>>
      tpu.wait_indirect_dma semaphore(%arg24 : memref<!tpu.dma_semaphore, #tpu.memory_space<semaphore_mem>>) src(%dma_wait3A_291 : memref<100000x128xf32, #tpu.memory_space<hbm>>) dst(%arg13 : memref<64x128xf32, #tpu.memory_space<vmem>>)
      %mul3A_292 = arith.constant 64 : i32
      %mul3A_293 = arith.muli %add3A_284, %mul3A_292 : i32
      %add3A_294 = arith.addi %mul3A_2, %mul3A_293 : i32
      %multiple_of3A_295 = tpu.assume_multiple %add3A_294, 64 : i32
      %dma_start3A_296 = arith.constant 0 : i32
      %dma_start3A_297 = tpu.memref_slice %arg6[%multiple_of3A_295, %dma_start3A_296] : memref<204800x128xf32, #tpu.memory_space<hbm>> -> memref<64x128xf32, #tpu.memory_space<hbm>>
      %dma_start3A_298 = arith.constant 0 : i32
      %dma_start3A_299 = tpu.memref_slice %arg6[%multiple_of3A_295, %dma_start3A_298] : memref<204800x128xf32, #tpu.memory_space<hbm>> -> memref<64x128xf32, #tpu.memory_space<hbm>>
      tpu.enqueue_dma source(%arg13 : memref<64x128xf32, #tpu.memory_space<vmem>>) target(%dma_start3A_299 : memref<64x128xf32, #tpu.memory_space<hbm>>) target_semaphore(%arg34 : memref<!tpu.dma_semaphore, #tpu.memory_space<semaphore_mem>>)
      %sub3A_300 = arith.constant 1 : i32
      %sub3A_301 = arith.subi %add3A_284, %sub3A_300 : i32
      %mul3A_302 = arith.constant 64 : i32
      %mul3A_303 = arith.muli %sub3A_301, %mul3A_302 : i32
      %add3A_304 = arith.addi %mul3A_2, %mul3A_303 : i32
      %multiple_of3A_305 = tpu.assume_multiple %add3A_304, 64 : i32
      %dma_wait3A_306 = arith.constant 0 : i32
      %dma_wait3A_307 = tpu.memref_slice %arg6[%multiple_of3A_305, %dma_wait3A_306] : memref<204800x128xf32, #tpu.memory_space<hbm>> -> memref<64x128xf32, #tpu.memory_space<hbm>>
      %dma_wait3A_308 = arith.constant 0 : i32
      %dma_wait3A_309 = tpu.memref_slice %arg6[%multiple_of3A_305, %dma_wait3A_308] : memref<204800x128xf32, #tpu.memory_space<hbm>> -> memref<64x128xf32, #tpu.memory_space<hbm>>
      tpu.wait_dma2 semaphore(%arg33 : memref<!tpu.dma_semaphore, #tpu.memory_space<semaphore_mem>>) src(%arg12 : memref<64x128xf32, #tpu.memory_space<vmem>>) dst(%dma_wait3A_309 : memref<64x128xf32, #tpu.memory_space<hbm>>)
      %add3A_310 = arith.constant 10 : i32
      %add3A_311 = arith.addi %add3A_284, %add3A_310 : i32
      %sub3A_312 = arith.constant 1 : i32
      %sub3A_313 = arith.subi %add3A_311, %sub3A_312 : i32
      %lt3A_314 = arith.constant 100 : i32
      %lt3A_315 = arith.cmpi slt, %sub3A_313, %lt3A_314 : i32
      %convert_element_type3A_316 = arith.extui %lt3A_315 : i1 to i32
      %cond3A_317 = arith.constant 0 : i32
      %cond3A_318 = arith.cmpi ne, %convert_element_type3A_316, %cond3A_317 : i32
      scf.if %cond3A_318 {
        %add3A_509 = arith.constant 10 : i32
        %add3A_510 = arith.addi %add3A_284, %add3A_509 : i32
        %sub3A_511 = arith.constant 1 : i32
        %sub3A_512 = arith.subi %add3A_510, %sub3A_511 : i32
        %mul3A_513 = arith.constant 64 : i32
        %mul3A_514 = arith.muli %sub3A_512, %mul3A_513 : i32
        %multiple_of3A_515 = tpu.assume_multiple %mul3A_514, 64 : i32
        %dma_start3A_516 = tpu.memref_slice %arg8[%multiple_of3A_515] : memref<6400xi32, #tpu.memory_space<vmem>> -> memref<64xi32, #tpu.memory_space<vmem>>
        %dma_start3A_517 = arith.constant 0 : i32
        %dma_start3A_518 = arith.constant 0 : i32
        %dma_start3A_519 = tpu.memref_slice %arg4[%dma_start3A_517, %dma_start3A_518] : memref<100000x128xf32, #tpu.memory_space<hbm>> -> memref<100000x128xf32, #tpu.memory_space<hbm>>
        tpu.enqueue_indirect_dma source(%dma_start3A_519 : memref<100000x128xf32, #tpu.memory_space<hbm>>) target(%arg12 : memref<64x128xf32, #tpu.memory_space<vmem>>) offsets(%dma_start3A_516 : memref<64xi32, #tpu.memory_space<vmem>>) semaphore(%arg23 : memref<!tpu.dma_semaphore, #tpu.memory_space<semaphore_mem>>)
      } else {
      }
      %mul3A_319 = arith.constant 10 : i32
      %mul3A_320 = arith.muli %scan3A_140, %mul3A_319 : i32
      %add3A_321 = arith.constant 5 : i32
      %add3A_322 = arith.addi %mul3A_320, %add3A_321 : i32
      %mul3A_323 = arith.constant 64 : i32
      %mul3A_324 = arith.muli %add3A_322, %mul3A_323 : i32
      %multiple_of3A_325 = tpu.assume_multiple %mul3A_324, 64 : i32
      %dma_wait3A_326 = tpu.memref_slice %arg8[%multiple_of3A_325] : memref<6400xi32, #tpu.memory_space<vmem>> -> memref<64xi32, #tpu.memory_space<vmem>>
      %dma_wait3A_327 = arith.constant 0 : i32
      %dma_wait3A_328 = arith.constant 0 : i32
      %dma_wait3A_329 = tpu.memref_slice %arg4[%dma_wait3A_327, %dma_wait3A_328] : memref<100000x128xf32, #tpu.memory_space<hbm>> -> memref<100000x128xf32, #tpu.memory_space<hbm>>
      tpu.wait_indirect_dma semaphore(%arg25 : memref<!tpu.dma_semaphore, #tpu.memory_space<semaphore_mem>>) src(%dma_wait3A_329 : memref<100000x128xf32, #tpu.memory_space<hbm>>) dst(%arg14 : memref<64x128xf32, #tpu.memory_space<vmem>>)
      %mul3A_330 = arith.constant 64 : i32
      %mul3A_331 = arith.muli %add3A_322, %mul3A_330 : i32
      %add3A_332 = arith.addi %mul3A_2, %mul3A_331 : i32
      %multiple_of3A_333 = tpu.assume_multiple %add3A_332, 64 : i32
      %dma_start3A_334 = arith.constant 0 : i32
      %dma_start3A_335 = tpu.memref_slice %arg6[%multiple_of3A_333, %dma_start3A_334] : memref<204800x128xf32, #tpu.memory_space<hbm>> -> memref<64x128xf32, #tpu.memory_space<hbm>>
      %dma_start3A_336 = arith.constant 0 : i32
      %dma_start3A_337 = tpu.memref_slice %arg6[%multiple_of3A_333, %dma_start3A_336] : memref<204800x128xf32, #tpu.memory_space<hbm>> -> memref<64x128xf32, #tpu.memory_space<hbm>>
      tpu.enqueue_dma source(%arg14 : memref<64x128xf32, #tpu.memory_space<vmem>>) target(%dma_start3A_337 : memref<64x128xf32, #tpu.memory_space<hbm>>) target_semaphore(%arg35 : memref<!tpu.dma_semaphore, #tpu.memory_space<semaphore_mem>>)
      %sub3A_338 = arith.constant 1 : i32
      %sub3A_339 = arith.subi %add3A_322, %sub3A_338 : i32
      %mul3A_340 = arith.constant 64 : i32
      %mul3A_341 = arith.muli %sub3A_339, %mul3A_340 : i32
      %add3A_342 = arith.addi %mul3A_2, %mul3A_341 : i32
      %multiple_of3A_343 = tpu.assume_multiple %add3A_342, 64 : i32
      %dma_wait3A_344 = arith.constant 0 : i32
      %dma_wait3A_345 = tpu.memref_slice %arg6[%multiple_of3A_343, %dma_wait3A_344] : memref<204800x128xf32, #tpu.memory_space<hbm>> -> memref<64x128xf32, #tpu.memory_space<hbm>>
      %dma_wait3A_346 = arith.constant 0 : i32
      %dma_wait3A_347 = tpu.memref_slice %arg6[%multiple_of3A_343, %dma_wait3A_346] : memref<204800x128xf32, #tpu.memory_space<hbm>> -> memref<64x128xf32, #tpu.memory_space<hbm>>
      tpu.wait_dma2 semaphore(%arg34 : memref<!tpu.dma_semaphore, #tpu.memory_space<semaphore_mem>>) src(%arg13 : memref<64x128xf32, #tpu.memory_space<vmem>>) dst(%dma_wait3A_347 : memref<64x128xf32, #tpu.memory_space<hbm>>)
      %add3A_348 = arith.constant 10 : i32
      %add3A_349 = arith.addi %add3A_322, %add3A_348 : i32
      %sub3A_350 = arith.constant 1 : i32
      %sub3A_351 = arith.subi %add3A_349, %sub3A_350 : i32
      %lt3A_352 = arith.constant 100 : i32
      %lt3A_353 = arith.cmpi slt, %sub3A_351, %lt3A_352 : i32
      %convert_element_type3A_354 = arith.extui %lt3A_353 : i1 to i32
      %cond3A_355 = arith.constant 0 : i32
      %cond3A_356 = arith.cmpi ne, %convert_element_type3A_354, %cond3A_355 : i32
      scf.if %cond3A_356 {
        %add3A_509 = arith.constant 10 : i32
        %add3A_510 = arith.addi %add3A_322, %add3A_509 : i32
        %sub3A_511 = arith.constant 1 : i32
        %sub3A_512 = arith.subi %add3A_510, %sub3A_511 : i32
        %mul3A_513 = arith.constant 64 : i32
        %mul3A_514 = arith.muli %sub3A_512, %mul3A_513 : i32
        %multiple_of3A_515 = tpu.assume_multiple %mul3A_514, 64 : i32
        %dma_start3A_516 = tpu.memref_slice %arg8[%multiple_of3A_515] : memref<6400xi32, #tpu.memory_space<vmem>> -> memref<64xi32, #tpu.memory_space<vmem>>
        %dma_start3A_517 = arith.constant 0 : i32
        %dma_start3A_518 = arith.constant 0 : i32
        %dma_start3A_519 = tpu.memref_slice %arg4[%dma_start3A_517, %dma_start3A_518] : memref<100000x128xf32, #tpu.memory_space<hbm>> -> memref<100000x128xf32, #tpu.memory_space<hbm>>
        tpu.enqueue_indirect_dma source(%dma_start3A_519 : memref<100000x128xf32, #tpu.memory_space<hbm>>) target(%arg13 : memref<64x128xf32, #tpu.memory_space<vmem>>) offsets(%dma_start3A_516 : memref<64xi32, #tpu.memory_space<vmem>>) semaphore(%arg24 : memref<!tpu.dma_semaphore, #tpu.memory_space<semaphore_mem>>)
      } else {
      }
      %mul3A_357 = arith.constant 10 : i32
      %mul3A_358 = arith.muli %scan3A_140, %mul3A_357 : i32
      %add3A_359 = arith.constant 6 : i32
      %add3A_360 = arith.addi %mul3A_358, %add3A_359 : i32
      %mul3A_361 = arith.constant 64 : i32
      %mul3A_362 = arith.muli %add3A_360, %mul3A_361 : i32
      %multiple_of3A_363 = tpu.assume_multiple %mul3A_362, 64 : i32
      %dma_wait3A_364 = tpu.memref_slice %arg8[%multiple_of3A_363] : memref<6400xi32, #tpu.memory_space<vmem>> -> memref<64xi32, #tpu.memory_space<vmem>>
      %dma_wait3A_365 = arith.constant 0 : i32
      %dma_wait3A_366 = arith.constant 0 : i32
      %dma_wait3A_367 = tpu.memref_slice %arg4[%dma_wait3A_365, %dma_wait3A_366] : memref<100000x128xf32, #tpu.memory_space<hbm>> -> memref<100000x128xf32, #tpu.memory_space<hbm>>
      tpu.wait_indirect_dma semaphore(%arg26 : memref<!tpu.dma_semaphore, #tpu.memory_space<semaphore_mem>>) src(%dma_wait3A_367 : memref<100000x128xf32, #tpu.memory_space<hbm>>) dst(%arg15 : memref<64x128xf32, #tpu.memory_space<vmem>>)
      %mul3A_368 = arith.constant 64 : i32
      %mul3A_369 = arith.muli %add3A_360, %mul3A_368 : i32
      %add3A_370 = arith.addi %mul3A_2, %mul3A_369 : i32
      %multiple_of3A_371 = tpu.assume_multiple %add3A_370, 64 : i32
      %dma_start3A_372 = arith.constant 0 : i32
      %dma_start3A_373 = tpu.memref_slice %arg6[%multiple_of3A_371, %dma_start3A_372] : memref<204800x128xf32, #tpu.memory_space<hbm>> -> memref<64x128xf32, #tpu.memory_space<hbm>>
      %dma_start3A_374 = arith.constant 0 : i32
      %dma_start3A_375 = tpu.memref_slice %arg6[%multiple_of3A_371, %dma_start3A_374] : memref<204800x128xf32, #tpu.memory_space<hbm>> -> memref<64x128xf32, #tpu.memory_space<hbm>>
      tpu.enqueue_dma source(%arg15 : memref<64x128xf32, #tpu.memory_space<vmem>>) target(%dma_start3A_375 : memref<64x128xf32, #tpu.memory_space<hbm>>) target_semaphore(%arg36 : memref<!tpu.dma_semaphore, #tpu.memory_space<semaphore_mem>>)
      %sub3A_376 = arith.constant 1 : i32
      %sub3A_377 = arith.subi %add3A_360, %sub3A_376 : i32
      %mul3A_378 = arith.constant 64 : i32
      %mul3A_379 = arith.muli %sub3A_377, %mul3A_378 : i32
      %add3A_380 = arith.addi %mul3A_2, %mul3A_379 : i32
      %multiple_of3A_381 = tpu.assume_multiple %add3A_380, 64 : i32
      %dma_wait3A_382 = arith.constant 0 : i32
      %dma_wait3A_383 = tpu.memref_slice %arg6[%multiple_of3A_381, %dma_wait3A_382] : memref<204800x128xf32, #tpu.memory_space<hbm>> -> memref<64x128xf32, #tpu.memory_space<hbm>>
      %dma_wait3A_384 = arith.constant 0 : i32
      %dma_wait3A_385 = tpu.memref_slice %arg6[%multiple_of3A_381, %dma_wait3A_384] : memref<204800x128xf32, #tpu.memory_space<hbm>> -> memref<64x128xf32, #tpu.memory_space<hbm>>
      tpu.wait_dma2 semaphore(%arg35 : memref<!tpu.dma_semaphore, #tpu.memory_space<semaphore_mem>>) src(%arg14 : memref<64x128xf32, #tpu.memory_space<vmem>>) dst(%dma_wait3A_385 : memref<64x128xf32, #tpu.memory_space<hbm>>)
      %add3A_386 = arith.constant 10 : i32
      %add3A_387 = arith.addi %add3A_360, %add3A_386 : i32
      %sub3A_388 = arith.constant 1 : i32
      %sub3A_389 = arith.subi %add3A_387, %sub3A_388 : i32
      %lt3A_390 = arith.constant 100 : i32
      %lt3A_391 = arith.cmpi slt, %sub3A_389, %lt3A_390 : i32
      %convert_element_type3A_392 = arith.extui %lt3A_391 : i1 to i32
      %cond3A_393 = arith.constant 0 : i32
      %cond3A_394 = arith.cmpi ne, %convert_element_type3A_392, %cond3A_393 : i32
      scf.if %cond3A_394 {
        %add3A_509 = arith.constant 10 : i32
        %add3A_510 = arith.addi %add3A_360, %add3A_509 : i32
        %sub3A_511 = arith.constant 1 : i32
        %sub3A_512 = arith.subi %add3A_510, %sub3A_511 : i32
        %mul3A_513 = arith.constant 64 : i32
        %mul3A_514 = arith.muli %sub3A_512, %mul3A_513 : i32
        %multiple_of3A_515 = tpu.assume_multiple %mul3A_514, 64 : i32
        %dma_start3A_516 = tpu.memref_slice %arg8[%multiple_of3A_515] : memref<6400xi32, #tpu.memory_space<vmem>> -> memref<64xi32, #tpu.memory_space<vmem>>
        %dma_start3A_517 = arith.constant 0 : i32
        %dma_start3A_518 = arith.constant 0 : i32
        %dma_start3A_519 = tpu.memref_slice %arg4[%dma_start3A_517, %dma_start3A_518] : memref<100000x128xf32, #tpu.memory_space<hbm>> -> memref<100000x128xf32, #tpu.memory_space<hbm>>
        tpu.enqueue_indirect_dma source(%dma_start3A_519 : memref<100000x128xf32, #tpu.memory_space<hbm>>) target(%arg14 : memref<64x128xf32, #tpu.memory_space<vmem>>) offsets(%dma_start3A_516 : memref<64xi32, #tpu.memory_space<vmem>>) semaphore(%arg25 : memref<!tpu.dma_semaphore, #tpu.memory_space<semaphore_mem>>)
      } else {
      }
      %mul3A_395 = arith.constant 10 : i32
      %mul3A_396 = arith.muli %scan3A_140, %mul3A_395 : i32
      %add3A_397 = arith.constant 7 : i32
      %add3A_398 = arith.addi %mul3A_396, %add3A_397 : i32
      %mul3A_399 = arith.constant 64 : i32
      %mul3A_400 = arith.muli %add3A_398, %mul3A_399 : i32
      %multiple_of3A_401 = tpu.assume_multiple %mul3A_400, 64 : i32
      %dma_wait3A_402 = tpu.memref_slice %arg8[%multiple_of3A_401] : memref<6400xi32, #tpu.memory_space<vmem>> -> memref<64xi32, #tpu.memory_space<vmem>>
      %dma_wait3A_403 = arith.constant 0 : i32
      %dma_wait3A_404 = arith.constant 0 : i32
      %dma_wait3A_405 = tpu.memref_slice %arg4[%dma_wait3A_403, %dma_wait3A_404] : memref<100000x128xf32, #tpu.memory_space<hbm>> -> memref<100000x128xf32, #tpu.memory_space<hbm>>
      tpu.wait_indirect_dma semaphore(%arg27 : memref<!tpu.dma_semaphore, #tpu.memory_space<semaphore_mem>>) src(%dma_wait3A_405 : memref<100000x128xf32, #tpu.memory_space<hbm>>) dst(%arg16 : memref<64x128xf32, #tpu.memory_space<vmem>>)
      %mul3A_406 = arith.constant 64 : i32
      %mul3A_407 = arith.muli %add3A_398, %mul3A_406 : i32
      %add3A_408 = arith.addi %mul3A_2, %mul3A_407 : i32
      %multiple_of3A_409 = tpu.assume_multiple %add3A_408, 64 : i32
      %dma_start3A_410 = arith.constant 0 : i32
      %dma_start3A_411 = tpu.memref_slice %arg6[%multiple_of3A_409, %dma_start3A_410] : memref<204800x128xf32, #tpu.memory_space<hbm>> -> memref<64x128xf32, #tpu.memory_space<hbm>>
      %dma_start3A_412 = arith.constant 0 : i32
      %dma_start3A_413 = tpu.memref_slice %arg6[%multiple_of3A_409, %dma_start3A_412] : memref<204800x128xf32, #tpu.memory_space<hbm>> -> memref<64x128xf32, #tpu.memory_space<hbm>>
      tpu.enqueue_dma source(%arg16 : memref<64x128xf32, #tpu.memory_space<vmem>>) target(%dma_start3A_413 : memref<64x128xf32, #tpu.memory_space<hbm>>) target_semaphore(%arg37 : memref<!tpu.dma_semaphore, #tpu.memory_space<semaphore_mem>>)
      %sub3A_414 = arith.constant 1 : i32
      %sub3A_415 = arith.subi %add3A_398, %sub3A_414 : i32
      %mul3A_416 = arith.constant 64 : i32
      %mul3A_417 = arith.muli %sub3A_415, %mul3A_416 : i32
      %add3A_418 = arith.addi %mul3A_2, %mul3A_417 : i32
      %multiple_of3A_419 = tpu.assume_multiple %add3A_418, 64 : i32
      %dma_wait3A_420 = arith.constant 0 : i32
      %dma_wait3A_421 = tpu.memref_slice %arg6[%multiple_of3A_419, %dma_wait3A_420] : memref<204800x128xf32, #tpu.memory_space<hbm>> -> memref<64x128xf32, #tpu.memory_space<hbm>>
      %dma_wait3A_422 = arith.constant 0 : i32
      %dma_wait3A_423 = tpu.memref_slice %arg6[%multiple_of3A_419, %dma_wait3A_422] : memref<204800x128xf32, #tpu.memory_space<hbm>> -> memref<64x128xf32, #tpu.memory_space<hbm>>
      tpu.wait_dma2 semaphore(%arg36 : memref<!tpu.dma_semaphore, #tpu.memory_space<semaphore_mem>>) src(%arg15 : memref<64x128xf32, #tpu.memory_space<vmem>>) dst(%dma_wait3A_423 : memref<64x128xf32, #tpu.memory_space<hbm>>)
      %add3A_424 = arith.constant 10 : i32
      %add3A_425 = arith.addi %add3A_398, %add3A_424 : i32
      %sub3A_426 = arith.constant 1 : i32
      %sub3A_427 = arith.subi %add3A_425, %sub3A_426 : i32
      %lt3A_428 = arith.constant 100 : i32
      %lt3A_429 = arith.cmpi slt, %sub3A_427, %lt3A_428 : i32
      %convert_element_type3A_430 = arith.extui %lt3A_429 : i1 to i32
      %cond3A_431 = arith.constant 0 : i32
      %cond3A_432 = arith.cmpi ne, %convert_element_type3A_430, %cond3A_431 : i32
      scf.if %cond3A_432 {
        %add3A_509 = arith.constant 10 : i32
        %add3A_510 = arith.addi %add3A_398, %add3A_509 : i32
        %sub3A_511 = arith.constant 1 : i32
        %sub3A_512 = arith.subi %add3A_510, %sub3A_511 : i32
        %mul3A_513 = arith.constant 64 : i32
        %mul3A_514 = arith.muli %sub3A_512, %mul3A_513 : i32
        %multiple_of3A_515 = tpu.assume_multiple %mul3A_514, 64 : i32
        %dma_start3A_516 = tpu.memref_slice %arg8[%multiple_of3A_515] : memref<6400xi32, #tpu.memory_space<vmem>> -> memref<64xi32, #tpu.memory_space<vmem>>
        %dma_start3A_517 = arith.constant 0 : i32
        %dma_start3A_518 = arith.constant 0 : i32
        %dma_start3A_519 = tpu.memref_slice %arg4[%dma_start3A_517, %dma_start3A_518] : memref<100000x128xf32, #tpu.memory_space<hbm>> -> memref<100000x128xf32, #tpu.memory_space<hbm>>
        tpu.enqueue_indirect_dma source(%dma_start3A_519 : memref<100000x128xf32, #tpu.memory_space<hbm>>) target(%arg15 : memref<64x128xf32, #tpu.memory_space<vmem>>) offsets(%dma_start3A_516 : memref<64xi32, #tpu.memory_space<vmem>>) semaphore(%arg26 : memref<!tpu.dma_semaphore, #tpu.memory_space<semaphore_mem>>)
      } else {
      }
      %mul3A_433 = arith.constant 10 : i32
      %mul3A_434 = arith.muli %scan3A_140, %mul3A_433 : i32
      %add3A_435 = arith.constant 8 : i32
      %add3A_436 = arith.addi %mul3A_434, %add3A_435 : i32
      %mul3A_437 = arith.constant 64 : i32
      %mul3A_438 = arith.muli %add3A_436, %mul3A_437 : i32
      %multiple_of3A_439 = tpu.assume_multiple %mul3A_438, 64 : i32
      %dma_wait3A_440 = tpu.memref_slice %arg8[%multiple_of3A_439] : memref<6400xi32, #tpu.memory_space<vmem>> -> memref<64xi32, #tpu.memory_space<vmem>>
      %dma_wait3A_441 = arith.constant 0 : i32
      %dma_wait3A_442 = arith.constant 0 : i32
      %dma_wait3A_443 = tpu.memref_slice %arg4[%dma_wait3A_441, %dma_wait3A_442] : memref<100000x128xf32, #tpu.memory_space<hbm>> -> memref<100000x128xf32, #tpu.memory_space<hbm>>
      tpu.wait_indirect_dma semaphore(%arg28 : memref<!tpu.dma_semaphore, #tpu.memory_space<semaphore_mem>>) src(%dma_wait3A_443 : memref<100000x128xf32, #tpu.memory_space<hbm>>) dst(%arg17 : memref<64x128xf32, #tpu.memory_space<vmem>>)
      %mul3A_444 = arith.constant 64 : i32
      %mul3A_445 = arith.muli %add3A_436, %mul3A_444 : i32
      %add3A_446 = arith.addi %mul3A_2, %mul3A_445 : i32
      %multiple_of3A_447 = tpu.assume_multiple %add3A_446, 64 : i32
      %dma_start3A_448 = arith.constant 0 : i32
      %dma_start3A_449 = tpu.memref_slice %arg6[%multiple_of3A_447, %dma_start3A_448] : memref<204800x128xf32, #tpu.memory_space<hbm>> -> memref<64x128xf32, #tpu.memory_space<hbm>>
      %dma_start3A_450 = arith.constant 0 : i32
      %dma_start3A_451 = tpu.memref_slice %arg6[%multiple_of3A_447, %dma_start3A_450] : memref<204800x128xf32, #tpu.memory_space<hbm>> -> memref<64x128xf32, #tpu.memory_space<hbm>>
      tpu.enqueue_dma source(%arg17 : memref<64x128xf32, #tpu.memory_space<vmem>>) target(%dma_start3A_451 : memref<64x128xf32, #tpu.memory_space<hbm>>) target_semaphore(%arg38 : memref<!tpu.dma_semaphore, #tpu.memory_space<semaphore_mem>>)
      %sub3A_452 = arith.constant 1 : i32
      %sub3A_453 = arith.subi %add3A_436, %sub3A_452 : i32
      %mul3A_454 = arith.constant 64 : i32
      %mul3A_455 = arith.muli %sub3A_453, %mul3A_454 : i32
      %add3A_456 = arith.addi %mul3A_2, %mul3A_455 : i32
      %multiple_of3A_457 = tpu.assume_multiple %add3A_456, 64 : i32
      %dma_wait3A_458 = arith.constant 0 : i32
      %dma_wait3A_459 = tpu.memref_slice %arg6[%multiple_of3A_457, %dma_wait3A_458] : memref<204800x128xf32, #tpu.memory_space<hbm>> -> memref<64x128xf32, #tpu.memory_space<hbm>>
      %dma_wait3A_460 = arith.constant 0 : i32
      %dma_wait3A_461 = tpu.memref_slice %arg6[%multiple_of3A_457, %dma_wait3A_460] : memref<204800x128xf32, #tpu.memory_space<hbm>> -> memref<64x128xf32, #tpu.memory_space<hbm>>
      tpu.wait_dma2 semaphore(%arg37 : memref<!tpu.dma_semaphore, #tpu.memory_space<semaphore_mem>>) src(%arg16 : memref<64x128xf32, #tpu.memory_space<vmem>>) dst(%dma_wait3A_461 : memref<64x128xf32, #tpu.memory_space<hbm>>)
      %add3A_462 = arith.constant 10 : i32
      %add3A_463 = arith.addi %add3A_436, %add3A_462 : i32
      %sub3A_464 = arith.constant 1 : i32
      %sub3A_465 = arith.subi %add3A_463, %sub3A_464 : i32
      %lt3A_466 = arith.constant 100 : i32
      %lt3A_467 = arith.cmpi slt, %sub3A_465, %lt3A_466 : i32
      %convert_element_type3A_468 = arith.extui %lt3A_467 : i1 to i32
      %cond3A_469 = arith.constant 0 : i32
      %cond3A_470 = arith.cmpi ne, %convert_element_type3A_468, %cond3A_469 : i32
      scf.if %cond3A_470 {
        %add3A_509 = arith.constant 10 : i32
        %add3A_510 = arith.addi %add3A_436, %add3A_509 : i32
        %sub3A_511 = arith.constant 1 : i32
        %sub3A_512 = arith.subi %add3A_510, %sub3A_511 : i32
        %mul3A_513 = arith.constant 64 : i32
        %mul3A_514 = arith.muli %sub3A_512, %mul3A_513 : i32
        %multiple_of3A_515 = tpu.assume_multiple %mul3A_514, 64 : i32
        %dma_start3A_516 = tpu.memref_slice %arg8[%multiple_of3A_515] : memref<6400xi32, #tpu.memory_space<vmem>> -> memref<64xi32, #tpu.memory_space<vmem>>
        %dma_start3A_517 = arith.constant 0 : i32
        %dma_start3A_518 = arith.constant 0 : i32
        %dma_start3A_519 = tpu.memref_slice %arg4[%dma_start3A_517, %dma_start3A_518] : memref<100000x128xf32, #tpu.memory_space<hbm>> -> memref<100000x128xf32, #tpu.memory_space<hbm>>
        tpu.enqueue_indirect_dma source(%dma_start3A_519 : memref<100000x128xf32, #tpu.memory_space<hbm>>) target(%arg16 : memref<64x128xf32, #tpu.memory_space<vmem>>) offsets(%dma_start3A_516 : memref<64xi32, #tpu.memory_space<vmem>>) semaphore(%arg27 : memref<!tpu.dma_semaphore, #tpu.memory_space<semaphore_mem>>)
      } else {
      }
      %mul3A_471 = arith.constant 10 : i32
      %mul3A_472 = arith.muli %scan3A_140, %mul3A_471 : i32
      %add3A_473 = arith.constant 9 : i32
      %add3A_474 = arith.addi %mul3A_472, %add3A_473 : i32
      %mul3A_475 = arith.constant 64 : i32
      %mul3A_476 = arith.muli %add3A_474, %mul3A_475 : i32
      %multiple_of3A_477 = tpu.assume_multiple %mul3A_476, 64 : i32
      %dma_wait3A_478 = tpu.memref_slice %arg8[%multiple_of3A_477] : memref<6400xi32, #tpu.memory_space<vmem>> -> memref<64xi32, #tpu.memory_space<vmem>>
      %dma_wait3A_479 = arith.constant 0 : i32
      %dma_wait3A_480 = arith.constant 0 : i32
      %dma_wait3A_481 = tpu.memref_slice %arg4[%dma_wait3A_479, %dma_wait3A_480] : memref<100000x128xf32, #tpu.memory_space<hbm>> -> memref<100000x128xf32, #tpu.memory_space<hbm>>
      tpu.wait_indirect_dma semaphore(%arg29 : memref<!tpu.dma_semaphore, #tpu.memory_space<semaphore_mem>>) src(%dma_wait3A_481 : memref<100000x128xf32, #tpu.memory_space<hbm>>) dst(%arg18 : memref<64x128xf32, #tpu.memory_space<vmem>>)
      %mul3A_482 = arith.constant 64 : i32
      %mul3A_483 = arith.muli %add3A_474, %mul3A_482 : i32
      %add3A_484 = arith.addi %mul3A_2, %mul3A_483 : i32
      %multiple_of3A_485 = tpu.assume_multiple %add3A_484, 64 : i32
      %dma_start3A_486 = arith.constant 0 : i32
      %dma_start3A_487 = tpu.memref_slice %arg6[%multiple_of3A_485, %dma_start3A_486] : memref<204800x128xf32, #tpu.memory_space<hbm>> -> memref<64x128xf32, #tpu.memory_space<hbm>>
      %dma_start3A_488 = arith.constant 0 : i32
      %dma_start3A_489 = tpu.memref_slice %arg6[%multiple_of3A_485, %dma_start3A_488] : memref<204800x128xf32, #tpu.memory_space<hbm>> -> memref<64x128xf32, #tpu.memory_space<hbm>>
      tpu.enqueue_dma source(%arg18 : memref<64x128xf32, #tpu.memory_space<vmem>>) target(%dma_start3A_489 : memref<64x128xf32, #tpu.memory_space<hbm>>) target_semaphore(%arg39 : memref<!tpu.dma_semaphore, #tpu.memory_space<semaphore_mem>>)
      %sub3A_490 = arith.constant 1 : i32
      %sub3A_491 = arith.subi %add3A_474, %sub3A_490 : i32
      %mul3A_492 = arith.constant 64 : i32
      %mul3A_493 = arith.muli %sub3A_491, %mul3A_492 : i32
      %add3A_494 = arith.addi %mul3A_2, %mul3A_493 : i32
      %multiple_of3A_495 = tpu.assume_multiple %add3A_494, 64 : i32
      %dma_wait3A_496 = arith.constant 0 : i32
      %dma_wait3A_497 = tpu.memref_slice %arg6[%multiple_of3A_495, %dma_wait3A_496] : memref<204800x128xf32, #tpu.memory_space<hbm>> -> memref<64x128xf32, #tpu.memory_space<hbm>>
      %dma_wait3A_498 = arith.constant 0 : i32
      %dma_wait3A_499 = tpu.memref_slice %arg6[%multiple_of3A_495, %dma_wait3A_498] : memref<204800x128xf32, #tpu.memory_space<hbm>> -> memref<64x128xf32, #tpu.memory_space<hbm>>
      tpu.wait_dma2 semaphore(%arg38 : memref<!tpu.dma_semaphore, #tpu.memory_space<semaphore_mem>>) src(%arg17 : memref<64x128xf32, #tpu.memory_space<vmem>>) dst(%dma_wait3A_499 : memref<64x128xf32, #tpu.memory_space<hbm>>)
      %add3A_500 = arith.constant 10 : i32
      %add3A_501 = arith.addi %add3A_474, %add3A_500 : i32
      %sub3A_502 = arith.constant 1 : i32
      %sub3A_503 = arith.subi %add3A_501, %sub3A_502 : i32
      %lt3A_504 = arith.constant 100 : i32
      %lt3A_505 = arith.cmpi slt, %sub3A_503, %lt3A_504 : i32
      %convert_element_type3A_506 = arith.extui %lt3A_505 : i1 to i32
      %cond3A_507 = arith.constant 0 : i32
      %cond3A_508 = arith.cmpi ne, %convert_element_type3A_506, %cond3A_507 : i32
      scf.if %cond3A_508 {
        %add3A_509 = arith.constant 10 : i32
        %add3A_510 = arith.addi %add3A_474, %add3A_509 : i32
        %sub3A_511 = arith.constant 1 : i32
        %sub3A_512 = arith.subi %add3A_510, %sub3A_511 : i32
        %mul3A_513 = arith.constant 64 : i32
        %mul3A_514 = arith.muli %sub3A_512, %mul3A_513 : i32
        %multiple_of3A_515 = tpu.assume_multiple %mul3A_514, 64 : i32
        %dma_start3A_516 = tpu.memref_slice %arg8[%multiple_of3A_515] : memref<6400xi32, #tpu.memory_space<vmem>> -> memref<64xi32, #tpu.memory_space<vmem>>
        %dma_start3A_517 = arith.constant 0 : i32
        %dma_start3A_518 = arith.constant 0 : i32
        %dma_start3A_519 = tpu.memref_slice %arg4[%dma_start3A_517, %dma_start3A_518] : memref<100000x128xf32, #tpu.memory_space<hbm>> -> memref<100000x128xf32, #tpu.memory_space<hbm>>
        tpu.enqueue_indirect_dma source(%dma_start3A_519 : memref<100000x128xf32, #tpu.memory_space<hbm>>) target(%arg17 : memref<64x128xf32, #tpu.memory_space<vmem>>) offsets(%dma_start3A_516 : memref<64xi32, #tpu.memory_space<vmem>>) semaphore(%arg28 : memref<!tpu.dma_semaphore, #tpu.memory_space<semaphore_mem>>)
      } else {
      }
    }
    %scan3A_61 = arith.constant 10 : i32
    %add3A_62 = arith.constant 6336 : i32
    %add3A_63 = arith.addi %mul3A_2, %add3A_62 : i32
    %multiple_of3A_64 = tpu.assume_multiple %add3A_63, 64 : i32
    %dma_wait3A = arith.constant 0 : i32
    %dma_wait3A_65 = tpu.memref_slice %arg6[%multiple_of3A_64, %dma_wait3A] : memref<204800x128xf32, #tpu.memory_space<hbm>> -> memref<64x128xf32, #tpu.memory_space<hbm>>
    %dma_wait3A_66 = arith.constant 0 : i32
    %dma_wait3A_67 = tpu.memref_slice %arg6[%multiple_of3A_64, %dma_wait3A_66] : memref<204800x128xf32, #tpu.memory_space<hbm>> -> memref<64x128xf32, #tpu.memory_space<hbm>>
    tpu.wait_dma2 semaphore(%arg39 : memref<!tpu.dma_semaphore, #tpu.memory_space<semaphore_mem>>) src(%arg18 : memref<64x128xf32, #tpu.memory_space<vmem>>) dst(%dma_wait3A_67 : memref<64x128xf32, #tpu.memory_space<hbm>>)
    %eq3A_68 = arith.constant 0 : i32
    %eq3A_69 = arith.cmpi eq, %arg1, %eq3A_68 : i32
    %convert_element_type3A_70 = arith.extui %eq3A_69 : i1 to i32
    %cond3A_71 = arith.constant 0 : i32
    %cond3A_72 = arith.cmpi ne, %convert_element_type3A_70, %cond3A_71 : i32
    scf.if %cond3A_72 {
      tpu.wait_dma2 semaphore(%arg40 : memref<!tpu.dma_semaphore, #tpu.memory_space<semaphore_mem>>) src(%arg5 : memref<1000x128xf32, #tpu.memory_space<hbm>>) dst(%arg19 : memref<1000x128xf32, #tpu.memory_space<vmem_shared>>)
    } else {
    }
    %barrier3A = arith.constant 0 : index
    tpu.barrier barrier_id(%barrier3A)
    "tpu.region"() ({
      %run_scoped3A = tpu.sem_alloc : memref<!tpu.dma_semaphore, #tpu.memory_space<semaphore_mem>>
      %dma_start3A_140 = tpu.memref_slice %arg3[%mul3A_2] : memref<204800xi32, #tpu.memory_space<hbm>> -> memref<6400xi32, #tpu.memory_space<hbm>>
      %dma_start3A_141 = tpu.memref_slice %arg3[%mul3A_2] : memref<204800xi32, #tpu.memory_space<hbm>> -> memref<6400xi32, #tpu.memory_space<hbm>>
      tpu.enqueue_dma source(%dma_start3A_141 : memref<6400xi32, #tpu.memory_space<hbm>>) target(%arg8 : memref<6400xi32, #tpu.memory_space<vmem>>) target_semaphore(%run_scoped3A : memref<!tpu.dma_semaphore, #tpu.memory_space<semaphore_mem>>)
      %dma_wait3A_142 = tpu.memref_slice %arg3[%mul3A_2] : memref<204800xi32, #tpu.memory_space<hbm>> -> memref<6400xi32, #tpu.memory_space<hbm>>
      %dma_wait3A_143 = tpu.memref_slice %arg3[%mul3A_2] : memref<204800xi32, #tpu.memory_space<hbm>> -> memref<6400xi32, #tpu.memory_space<hbm>>
      tpu.wait_dma2 semaphore(%run_scoped3A : memref<!tpu.dma_semaphore, #tpu.memory_space<semaphore_mem>>) src(%dma_wait3A_143 : memref<6400xi32, #tpu.memory_space<hbm>>) dst(%arg8 : memref<6400xi32, #tpu.memory_space<vmem>>)
      tpu.yield
    }) : () -> ()
    %multiple_of3A_73 = arith.constant 0 : i32
    %multiple_of3A_74 = tpu.assume_multiple %multiple_of3A_73, 64 : i32
    %dma_start3A_75 = tpu.memref_slice %arg8[%multiple_of3A_74] : memref<6400xi32, #tpu.memory_space<vmem>> -> memref<64xi32, #tpu.memory_space<vmem>>
    %dma_start3A_76 = arith.constant 0 : i32
    %dma_start3A_77 = arith.constant 0 : i32
    %dma_start3A_78 = tpu.memref_slice %arg19[%dma_start3A_76, %dma_start3A_77] : memref<1000x128xf32, #tpu.memory_space<vmem_shared>> -> memref<1000x128xf32, #tpu.memory_space<vmem_shared>>
    tpu.enqueue_indirect_dma source(%dma_start3A_78 : memref<1000x128xf32, #tpu.memory_space<vmem_shared>>) target(%arg9 : memref<64x128xf32, #tpu.memory_space<vmem>>) offsets(%dma_start3A_75 : memref<64xi32, #tpu.memory_space<vmem>>) semaphore(%arg20 : memref<!tpu.dma_semaphore, #tpu.memory_space<semaphore_mem>>)
    %multiple_of3A_79 = arith.constant 64 : i32
    %multiple_of3A_80 = tpu.assume_multiple %multiple_of3A_79, 64 : i32
    %dma_start3A_81 = tpu.memref_slice %arg8[%multiple_of3A_80] : memref<6400xi32, #tpu.memory_space<vmem>> -> memref<64xi32, #tpu.memory_space<vmem>>
    %dma_start3A_82 = arith.constant 0 : i32
    %dma_start3A_83 = arith.constant 0 : i32
    %dma_start3A_84 = tpu.memref_slice %arg19[%dma_start3A_82, %dma_start3A_83] : memref<1000x128xf32, #tpu.memory_space<vmem_shared>> -> memref<1000x128xf32, #tpu.memory_space<vmem_shared>>
    tpu.enqueue_indirect_dma source(%dma_start3A_84 : memref<1000x128xf32, #tpu.memory_space<vmem_shared>>) target(%arg10 : memref<64x128xf32, #tpu.memory_space<vmem>>) offsets(%dma_start3A_81 : memref<64xi32, #tpu.memory_space<vmem>>) semaphore(%arg21 : memref<!tpu.dma_semaphore, #tpu.memory_space<semaphore_mem>>)
    %multiple_of3A_85 = arith.constant 128 : i32
    %multiple_of3A_86 = tpu.assume_multiple %multiple_of3A_85, 64 : i32
    %dma_start3A_87 = tpu.memref_slice %arg8[%multiple_of3A_86] : memref<6400xi32, #tpu.memory_space<vmem>> -> memref<64xi32, #tpu.memory_space<vmem>>
    %dma_start3A_88 = arith.constant 0 : i32
    %dma_start3A_89 = arith.constant 0 : i32
    %dma_start3A_90 = tpu.memref_slice %arg19[%dma_start3A_88, %dma_start3A_89] : memref<1000x128xf32, #tpu.memory_space<vmem_shared>> -> memref<1000x128xf32, #tpu.memory_space<vmem_shared>>
    tpu.enqueue_indirect_dma source(%dma_start3A_90 : memref<1000x128xf32, #tpu.memory_space<vmem_shared>>) target(%arg11 : memref<64x128xf32, #tpu.memory_space<vmem>>) offsets(%dma_start3A_87 : memref<64xi32, #tpu.memory_space<vmem>>) semaphore(%arg22 : memref<!tpu.dma_semaphore, #tpu.memory_space<semaphore_mem>>)
    %multiple_of3A_91 = arith.constant 192 : i32
    %multiple_of3A_92 = tpu.assume_multiple %multiple_of3A_91, 64 : i32
    %dma_start3A_93 = tpu.memref_slice %arg8[%multiple_of3A_92] : memref<6400xi32, #tpu.memory_space<vmem>> -> memref<64xi32, #tpu.memory_space<vmem>>
    %dma_start3A_94 = arith.constant 0 : i32
    %dma_start3A_95 = arith.constant 0 : i32
    %dma_start3A_96 = tpu.memref_slice %arg19[%dma_start3A_94, %dma_start3A_95] : memref<1000x128xf32, #tpu.memory_space<vmem_shared>> -> memref<1000x128xf32, #tpu.memory_space<vmem_shared>>
    tpu.enqueue_indirect_dma source(%dma_start3A_96 : memref<1000x128xf32, #tpu.memory_space<vmem_shared>>) target(%arg12 : memref<64x128xf32, #tpu.memory_space<vmem>>) offsets(%dma_start3A_93 : memref<64xi32, #tpu.memory_space<vmem>>) semaphore(%arg23 : memref<!tpu.dma_semaphore, #tpu.memory_space<semaphore_mem>>)
    %multiple_of3A_97 = arith.constant 256 : i32
    %multiple_of3A_98 = tpu.assume_multiple %multiple_of3A_97, 64 : i32
    %dma_start3A_99 = tpu.memref_slice %arg8[%multiple_of3A_98] : memref<6400xi32, #tpu.memory_space<vmem>> -> memref<64xi32, #tpu.memory_space<vmem>>
    %dma_start3A_100 = arith.constant 0 : i32
    %dma_start3A_101 = arith.constant 0 : i32
    %dma_start3A_102 = tpu.memref_slice %arg19[%dma_start3A_100, %dma_start3A_101] : memref<1000x128xf32, #tpu.memory_space<vmem_shared>> -> memref<1000x128xf32, #tpu.memory_space<vmem_shared>>
    tpu.enqueue_indirect_dma source(%dma_start3A_102 : memref<1000x128xf32, #tpu.memory_space<vmem_shared>>) target(%arg13 : memref<64x128xf32, #tpu.memory_space<vmem>>) offsets(%dma_start3A_99 : memref<64xi32, #tpu.memory_space<vmem>>) semaphore(%arg24 : memref<!tpu.dma_semaphore, #tpu.memory_space<semaphore_mem>>)
    %multiple_of3A_103 = arith.constant 320 : i32
    %multiple_of3A_104 = tpu.assume_multiple %multiple_of3A_103, 64 : i32
    %dma_start3A_105 = tpu.memref_slice %arg8[%multiple_of3A_104] : memref<6400xi32, #tpu.memory_space<vmem>> -> memref<64xi32, #tpu.memory_space<vmem>>
    %dma_start3A_106 = arith.constant 0 : i32
    %dma_start3A_107 = arith.constant 0 : i32
    %dma_start3A_108 = tpu.memref_slice %arg19[%dma_start3A_106, %dma_start3A_107] : memref<1000x128xf32, #tpu.memory_space<vmem_shared>> -> memref<1000x128xf32, #tpu.memory_space<vmem_shared>>
    tpu.enqueue_indirect_dma source(%dma_start3A_108 : memref<1000x128xf32, #tpu.memory_space<vmem_shared>>) target(%arg14 : memref<64x128xf32, #tpu.memory_space<vmem>>) offsets(%dma_start3A_105 : memref<64xi32, #tpu.memory_space<vmem>>) semaphore(%arg25 : memref<!tpu.dma_semaphore, #tpu.memory_space<semaphore_mem>>)
    %multiple_of3A_109 = arith.constant 384 : i32
    %multiple_of3A_110 = tpu.assume_multiple %multiple_of3A_109, 64 : i32
    %dma_start3A_111 = tpu.memref_slice %arg8[%multiple_of3A_110] : memref<6400xi32, #tpu.memory_space<vmem>> -> memref<64xi32, #tpu.memory_space<vmem>>
    %dma_start3A_112 = arith.constant 0 : i32
    %dma_start3A_113 = arith.constant 0 : i32
    %dma_start3A_114 = tpu.memref_slice %arg19[%dma_start3A_112, %dma_start3A_113] : memref<1000x128xf32, #tpu.memory_space<vmem_shared>> -> memref<1000x128xf32, #tpu.memory_space<vmem_shared>>
    tpu.enqueue_indirect_dma source(%dma_start3A_114 : memref<1000x128xf32, #tpu.memory_space<vmem_shared>>) target(%arg15 : memref<64x128xf32, #tpu.memory_space<vmem>>) offsets(%dma_start3A_111 : memref<64xi32, #tpu.memory_space<vmem>>) semaphore(%arg26 : memref<!tpu.dma_semaphore, #tpu.memory_space<semaphore_mem>>)
    %multiple_of3A_115 = arith.constant 448 : i32
    %multiple_of3A_116 = tpu.assume_multiple %multiple_of3A_115, 64 : i32
    %dma_start3A_117 = tpu.memref_slice %arg8[%multiple_of3A_116] : memref<6400xi32, #tpu.memory_space<vmem>> -> memref<64xi32, #tpu.memory_space<vmem>>
    %dma_start3A_118 = arith.constant 0 : i32
    %dma_start3A_119 = arith.constant 0 : i32
    %dma_start3A_120 = tpu.memref_slice %arg19[%dma_start3A_118, %dma_start3A_119] : memref<1000x128xf32, #tpu.memory_space<vmem_shared>> -> memref<1000x128xf32, #tpu.memory_space<vmem_shared>>
    tpu.enqueue_indirect_dma source(%dma_start3A_120 : memref<1000x128xf32, #tpu.memory_space<vmem_shared>>) target(%arg16 : memref<64x128xf32, #tpu.memory_space<vmem>>) offsets(%dma_start3A_117 : memref<64xi32, #tpu.memory_space<vmem>>) semaphore(%arg27 : memref<!tpu.dma_semaphore, #tpu.memory_space<semaphore_mem>>)
    %multiple_of3A_121 = arith.constant 512 : i32
    %multiple_of3A_122 = tpu.assume_multiple %multiple_of3A_121, 64 : i32
    %dma_start3A_123 = tpu.memref_slice %arg8[%multiple_of3A_122] : memref<6400xi32, #tpu.memory_space<vmem>> -> memref<64xi32, #tpu.memory_space<vmem>>
    %dma_start3A_124 = arith.constant 0 : i32
    %dma_start3A_125 = arith.constant 0 : i32
    %dma_start3A_126 = tpu.memref_slice %arg19[%dma_start3A_124, %dma_start3A_125] : memref<1000x128xf32, #tpu.memory_space<vmem_shared>> -> memref<1000x128xf32, #tpu.memory_space<vmem_shared>>
    tpu.enqueue_indirect_dma source(%dma_start3A_126 : memref<1000x128xf32, #tpu.memory_space<vmem_shared>>) target(%arg17 : memref<64x128xf32, #tpu.memory_space<vmem>>) offsets(%dma_start3A_123 : memref<64xi32, #tpu.memory_space<vmem>>) semaphore(%arg28 : memref<!tpu.dma_semaphore, #tpu.memory_space<semaphore_mem>>)
    %scan3A_127 = arith.constant 0 : i32
    %scan3A_128 = arith.constant 0 : i32
    %scan3A_129 = arith.constant 10 : i32
    %scan3A_130 = arith.addi %scan3A_128, %scan3A_129 : i32
    %scan3A_131 = arith.constant 1 : i32
    scf.for %scan3A_140 = %scan3A_128 to %scan3A_130 step %scan3A_131  : i32 {
      %mul3A_141 = arith.constant 10 : i32
      %mul3A_142 = arith.muli %scan3A_140, %mul3A_141 : i32
      %add3A_143 = arith.constant 0 : i32
      %add3A_144 = arith.addi %mul3A_142, %add3A_143 : i32
      %mul3A_145 = arith.constant 64 : i32
      %mul3A_146 = arith.muli %add3A_144, %mul3A_145 : i32
      %multiple_of3A_147 = tpu.assume_multiple %mul3A_146, 64 : i32
      %dma_wait3A_148 = tpu.memref_slice %arg8[%multiple_of3A_147] : memref<6400xi32, #tpu.memory_space<vmem>> -> memref<64xi32, #tpu.memory_space<vmem>>
      %dma_wait3A_149 = arith.constant 0 : i32
      %dma_wait3A_150 = arith.constant 0 : i32
      %dma_wait3A_151 = tpu.memref_slice %arg19[%dma_wait3A_149, %dma_wait3A_150] : memref<1000x128xf32, #tpu.memory_space<vmem_shared>> -> memref<1000x128xf32, #tpu.memory_space<vmem_shared>>
      tpu.wait_indirect_dma semaphore(%arg20 : memref<!tpu.dma_semaphore, #tpu.memory_space<semaphore_mem>>) src(%dma_wait3A_151 : memref<1000x128xf32, #tpu.memory_space<vmem_shared>>) dst(%arg9 : memref<64x128xf32, #tpu.memory_space<vmem>>)
      %mul3A_152 = arith.constant 64 : i32
      %mul3A_153 = arith.muli %add3A_144, %mul3A_152 : i32
      %add3A_154 = arith.addi %mul3A_2, %mul3A_153 : i32
      %multiple_of3A_155 = tpu.assume_multiple %add3A_154, 64 : i32
      %dma_start3A_156 = arith.constant 0 : i32
      %dma_start3A_157 = tpu.memref_slice %arg7[%multiple_of3A_155, %dma_start3A_156] : memref<204800x128xf32, #tpu.memory_space<hbm>> -> memref<64x128xf32, #tpu.memory_space<hbm>>
      %dma_start3A_158 = arith.constant 0 : i32
      %dma_start3A_159 = tpu.memref_slice %arg7[%multiple_of3A_155, %dma_start3A_158] : memref<204800x128xf32, #tpu.memory_space<hbm>> -> memref<64x128xf32, #tpu.memory_space<hbm>>
      tpu.enqueue_dma source(%arg9 : memref<64x128xf32, #tpu.memory_space<vmem>>) target(%dma_start3A_159 : memref<64x128xf32, #tpu.memory_space<hbm>>) target_semaphore(%arg30 : memref<!tpu.dma_semaphore, #tpu.memory_space<semaphore_mem>>)
      %gt3A = arith.constant 0 : i32
      %gt3A_160 = arith.cmpi sgt, %scan3A_140, %gt3A : i32
      %convert_element_type3A_161 = arith.extui %gt3A_160 : i1 to i32
      %cond3A_162 = arith.constant 0 : i32
      %cond3A_163 = arith.cmpi ne, %convert_element_type3A_161, %cond3A_162 : i32
      scf.if %cond3A_163 {
        %sub3A_509 = arith.constant 1 : i32
        %sub3A_510 = arith.subi %add3A_144, %sub3A_509 : i32
        %mul3A_511 = arith.constant 64 : i32
        %mul3A_512 = arith.muli %sub3A_510, %mul3A_511 : i32
        %add3A_513 = arith.addi %mul3A_2, %mul3A_512 : i32
        %multiple_of3A_514 = tpu.assume_multiple %add3A_513, 64 : i32
        %dma_wait3A_515 = arith.constant 0 : i32
        %dma_wait3A_516 = tpu.memref_slice %arg7[%multiple_of3A_514, %dma_wait3A_515] : memref<204800x128xf32, #tpu.memory_space<hbm>> -> memref<64x128xf32, #tpu.memory_space<hbm>>
        %dma_wait3A_517 = arith.constant 0 : i32
        %dma_wait3A_518 = tpu.memref_slice %arg7[%multiple_of3A_514, %dma_wait3A_517] : memref<204800x128xf32, #tpu.memory_space<hbm>> -> memref<64x128xf32, #tpu.memory_space<hbm>>
        tpu.wait_dma2 semaphore(%arg39 : memref<!tpu.dma_semaphore, #tpu.memory_space<semaphore_mem>>) src(%arg18 : memref<64x128xf32, #tpu.memory_space<vmem>>) dst(%dma_wait3A_518 : memref<64x128xf32, #tpu.memory_space<hbm>>)
        %add3A_519 = arith.constant 10 : i32
        %add3A_520 = arith.addi %add3A_144, %add3A_519 : i32
        %sub3A_521 = arith.constant 1 : i32
        %sub3A_522 = arith.subi %add3A_520, %sub3A_521 : i32
        %mul3A_523 = arith.constant 64 : i32
        %mul3A_524 = arith.muli %sub3A_522, %mul3A_523 : i32
        %multiple_of3A_525 = tpu.assume_multiple %mul3A_524, 64 : i32
        %dma_start3A_526 = tpu.memref_slice %arg8[%multiple_of3A_525] : memref<6400xi32, #tpu.memory_space<vmem>> -> memref<64xi32, #tpu.memory_space<vmem>>
        %dma_start3A_527 = arith.constant 0 : i32
        %dma_start3A_528 = arith.constant 0 : i32
        %dma_start3A_529 = tpu.memref_slice %arg19[%dma_start3A_527, %dma_start3A_528] : memref<1000x128xf32, #tpu.memory_space<vmem_shared>> -> memref<1000x128xf32, #tpu.memory_space<vmem_shared>>
        tpu.enqueue_indirect_dma source(%dma_start3A_529 : memref<1000x128xf32, #tpu.memory_space<vmem_shared>>) target(%arg18 : memref<64x128xf32, #tpu.memory_space<vmem>>) offsets(%dma_start3A_526 : memref<64xi32, #tpu.memory_space<vmem>>) semaphore(%arg29 : memref<!tpu.dma_semaphore, #tpu.memory_space<semaphore_mem>>)
      } else {
      }
      %eq3A_164 = arith.constant 0 : i32
      %eq3A_165 = arith.cmpi eq, %scan3A_140, %eq3A_164 : i32
      %convert_element_type3A_166 = arith.extui %eq3A_165 : i1 to i32
      %cond3A_167 = arith.constant 0 : i32
      %cond3A_168 = arith.cmpi ne, %convert_element_type3A_166, %cond3A_167 : i32
      scf.if %cond3A_168 {
        %add3A_509 = arith.constant 10 : i32
        %add3A_510 = arith.addi %add3A_144, %add3A_509 : i32
        %sub3A_511 = arith.constant 1 : i32
        %sub3A_512 = arith.subi %add3A_510, %sub3A_511 : i32
        %mul3A_513 = arith.constant 64 : i32
        %mul3A_514 = arith.muli %sub3A_512, %mul3A_513 : i32
        %multiple_of3A_515 = tpu.assume_multiple %mul3A_514, 64 : i32
        %dma_start3A_516 = tpu.memref_slice %arg8[%multiple_of3A_515] : memref<6400xi32, #tpu.memory_space<vmem>> -> memref<64xi32, #tpu.memory_space<vmem>>
        %dma_start3A_517 = arith.constant 0 : i32
        %dma_start3A_518 = arith.constant 0 : i32
        %dma_start3A_519 = tpu.memref_slice %arg19[%dma_start3A_517, %dma_start3A_518] : memref<1000x128xf32, #tpu.memory_space<vmem_shared>> -> memref<1000x128xf32, #tpu.memory_space<vmem_shared>>
        tpu.enqueue_indirect_dma source(%dma_start3A_519 : memref<1000x128xf32, #tpu.memory_space<vmem_shared>>) target(%arg18 : memref<64x128xf32, #tpu.memory_space<vmem>>) offsets(%dma_start3A_516 : memref<64xi32, #tpu.memory_space<vmem>>) semaphore(%arg29 : memref<!tpu.dma_semaphore, #tpu.memory_space<semaphore_mem>>)
      } else {
      }
      %mul3A_169 = arith.constant 10 : i32
      %mul3A_170 = arith.muli %scan3A_140, %mul3A_169 : i32
      %add3A_171 = arith.constant 1 : i32
      %add3A_172 = arith.addi %mul3A_170, %add3A_171 : i32
      %mul3A_173 = arith.constant 64 : i32
      %mul3A_174 = arith.muli %add3A_172, %mul3A_173 : i32
      %multiple_of3A_175 = tpu.assume_multiple %mul3A_174, 64 : i32
      %dma_wait3A_176 = tpu.memref_slice %arg8[%multiple_of3A_175] : memref<6400xi32, #tpu.memory_space<vmem>> -> memref<64xi32, #tpu.memory_space<vmem>>
      %dma_wait3A_177 = arith.constant 0 : i32
      %dma_wait3A_178 = arith.constant 0 : i32
      %dma_wait3A_179 = tpu.memref_slice %arg19[%dma_wait3A_177, %dma_wait3A_178] : memref<1000x128xf32, #tpu.memory_space<vmem_shared>> -> memref<1000x128xf32, #tpu.memory_space<vmem_shared>>
      tpu.wait_indirect_dma semaphore(%arg21 : memref<!tpu.dma_semaphore, #tpu.memory_space<semaphore_mem>>) src(%dma_wait3A_179 : memref<1000x128xf32, #tpu.memory_space<vmem_shared>>) dst(%arg10 : memref<64x128xf32, #tpu.memory_space<vmem>>)
      %mul3A_180 = arith.constant 64 : i32
      %mul3A_181 = arith.muli %add3A_172, %mul3A_180 : i32
      %add3A_182 = arith.addi %mul3A_2, %mul3A_181 : i32
      %multiple_of3A_183 = tpu.assume_multiple %add3A_182, 64 : i32
      %dma_start3A_184 = arith.constant 0 : i32
      %dma_start3A_185 = tpu.memref_slice %arg7[%multiple_of3A_183, %dma_start3A_184] : memref<204800x128xf32, #tpu.memory_space<hbm>> -> memref<64x128xf32, #tpu.memory_space<hbm>>
      %dma_start3A_186 = arith.constant 0 : i32
      %dma_start3A_187 = tpu.memref_slice %arg7[%multiple_of3A_183, %dma_start3A_186] : memref<204800x128xf32, #tpu.memory_space<hbm>> -> memref<64x128xf32, #tpu.memory_space<hbm>>
      tpu.enqueue_dma source(%arg10 : memref<64x128xf32, #tpu.memory_space<vmem>>) target(%dma_start3A_187 : memref<64x128xf32, #tpu.memory_space<hbm>>) target_semaphore(%arg31 : memref<!tpu.dma_semaphore, #tpu.memory_space<semaphore_mem>>)
      %sub3A = arith.constant 1 : i32
      %sub3A_188 = arith.subi %add3A_172, %sub3A : i32
      %mul3A_189 = arith.constant 64 : i32
      %mul3A_190 = arith.muli %sub3A_188, %mul3A_189 : i32
      %add3A_191 = arith.addi %mul3A_2, %mul3A_190 : i32
      %multiple_of3A_192 = tpu.assume_multiple %add3A_191, 64 : i32
      %dma_wait3A_193 = arith.constant 0 : i32
      %dma_wait3A_194 = tpu.memref_slice %arg7[%multiple_of3A_192, %dma_wait3A_193] : memref<204800x128xf32, #tpu.memory_space<hbm>> -> memref<64x128xf32, #tpu.memory_space<hbm>>
      %dma_wait3A_195 = arith.constant 0 : i32
      %dma_wait3A_196 = tpu.memref_slice %arg7[%multiple_of3A_192, %dma_wait3A_195] : memref<204800x128xf32, #tpu.memory_space<hbm>> -> memref<64x128xf32, #tpu.memory_space<hbm>>
      tpu.wait_dma2 semaphore(%arg30 : memref<!tpu.dma_semaphore, #tpu.memory_space<semaphore_mem>>) src(%arg9 : memref<64x128xf32, #tpu.memory_space<vmem>>) dst(%dma_wait3A_196 : memref<64x128xf32, #tpu.memory_space<hbm>>)
      %add3A_197 = arith.constant 10 : i32
      %add3A_198 = arith.addi %add3A_172, %add3A_197 : i32
      %sub3A_199 = arith.constant 1 : i32
      %sub3A_200 = arith.subi %add3A_198, %sub3A_199 : i32
      %lt3A = arith.constant 100 : i32
      %lt3A_201 = arith.cmpi slt, %sub3A_200, %lt3A : i32
      %convert_element_type3A_202 = arith.extui %lt3A_201 : i1 to i32
      %cond3A_203 = arith.constant 0 : i32
      %cond3A_204 = arith.cmpi ne, %convert_element_type3A_202, %cond3A_203 : i32
      scf.if %cond3A_204 {
        %add3A_509 = arith.constant 10 : i32
        %add3A_510 = arith.addi %add3A_172, %add3A_509 : i32
        %sub3A_511 = arith.constant 1 : i32
        %sub3A_512 = arith.subi %add3A_510, %sub3A_511 : i32
        %mul3A_513 = arith.constant 64 : i32
        %mul3A_514 = arith.muli %sub3A_512, %mul3A_513 : i32
        %multiple_of3A_515 = tpu.assume_multiple %mul3A_514, 64 : i32
        %dma_start3A_516 = tpu.memref_slice %arg8[%multiple_of3A_515] : memref<6400xi32, #tpu.memory_space<vmem>> -> memref<64xi32, #tpu.memory_space<vmem>>
        %dma_start3A_517 = arith.constant 0 : i32
        %dma_start3A_518 = arith.constant 0 : i32
        %dma_start3A_519 = tpu.memref_slice %arg19[%dma_start3A_517, %dma_start3A_518] : memref<1000x128xf32, #tpu.memory_space<vmem_shared>> -> memref<1000x128xf32, #tpu.memory_space<vmem_shared>>
        tpu.enqueue_indirect_dma source(%dma_start3A_519 : memref<1000x128xf32, #tpu.memory_space<vmem_shared>>) target(%arg9 : memref<64x128xf32, #tpu.memory_space<vmem>>) offsets(%dma_start3A_516 : memref<64xi32, #tpu.memory_space<vmem>>) semaphore(%arg20 : memref<!tpu.dma_semaphore, #tpu.memory_space<semaphore_mem>>)
      } else {
      }
      %mul3A_205 = arith.constant 10 : i32
      %mul3A_206 = arith.muli %scan3A_140, %mul3A_205 : i32
      %add3A_207 = arith.constant 2 : i32
      %add3A_208 = arith.addi %mul3A_206, %add3A_207 : i32
      %mul3A_209 = arith.constant 64 : i32
      %mul3A_210 = arith.muli %add3A_208, %mul3A_209 : i32
      %multiple_of3A_211 = tpu.assume_multiple %mul3A_210, 64 : i32
      %dma_wait3A_212 = tpu.memref_slice %arg8[%multiple_of3A_211] : memref<6400xi32, #tpu.memory_space<vmem>> -> memref<64xi32, #tpu.memory_space<vmem>>
      %dma_wait3A_213 = arith.constant 0 : i32
      %dma_wait3A_214 = arith.constant 0 : i32
      %dma_wait3A_215 = tpu.memref_slice %arg19[%dma_wait3A_213, %dma_wait3A_214] : memref<1000x128xf32, #tpu.memory_space<vmem_shared>> -> memref<1000x128xf32, #tpu.memory_space<vmem_shared>>
      tpu.wait_indirect_dma semaphore(%arg22 : memref<!tpu.dma_semaphore, #tpu.memory_space<semaphore_mem>>) src(%dma_wait3A_215 : memref<1000x128xf32, #tpu.memory_space<vmem_shared>>) dst(%arg11 : memref<64x128xf32, #tpu.memory_space<vmem>>)
      %mul3A_216 = arith.constant 64 : i32
      %mul3A_217 = arith.muli %add3A_208, %mul3A_216 : i32
      %add3A_218 = arith.addi %mul3A_2, %mul3A_217 : i32
      %multiple_of3A_219 = tpu.assume_multiple %add3A_218, 64 : i32
      %dma_start3A_220 = arith.constant 0 : i32
      %dma_start3A_221 = tpu.memref_slice %arg7[%multiple_of3A_219, %dma_start3A_220] : memref<204800x128xf32, #tpu.memory_space<hbm>> -> memref<64x128xf32, #tpu.memory_space<hbm>>
      %dma_start3A_222 = arith.constant 0 : i32
      %dma_start3A_223 = tpu.memref_slice %arg7[%multiple_of3A_219, %dma_start3A_222] : memref<204800x128xf32, #tpu.memory_space<hbm>> -> memref<64x128xf32, #tpu.memory_space<hbm>>
      tpu.enqueue_dma source(%arg11 : memref<64x128xf32, #tpu.memory_space<vmem>>) target(%dma_start3A_223 : memref<64x128xf32, #tpu.memory_space<hbm>>) target_semaphore(%arg32 : memref<!tpu.dma_semaphore, #tpu.memory_space<semaphore_mem>>)
      %sub3A_224 = arith.constant 1 : i32
      %sub3A_225 = arith.subi %add3A_208, %sub3A_224 : i32
      %mul3A_226 = arith.constant 64 : i32
      %mul3A_227 = arith.muli %sub3A_225, %mul3A_226 : i32
      %add3A_228 = arith.addi %mul3A_2, %mul3A_227 : i32
      %multiple_of3A_229 = tpu.assume_multiple %add3A_228, 64 : i32
      %dma_wait3A_230 = arith.constant 0 : i32
      %dma_wait3A_231 = tpu.memref_slice %arg7[%multiple_of3A_229, %dma_wait3A_230] : memref<204800x128xf32, #tpu.memory_space<hbm>> -> memref<64x128xf32, #tpu.memory_space<hbm>>
      %dma_wait3A_232 = arith.constant 0 : i32
      %dma_wait3A_233 = tpu.memref_slice %arg7[%multiple_of3A_229, %dma_wait3A_232] : memref<204800x128xf32, #tpu.memory_space<hbm>> -> memref<64x128xf32, #tpu.memory_space<hbm>>
      tpu.wait_dma2 semaphore(%arg31 : memref<!tpu.dma_semaphore, #tpu.memory_space<semaphore_mem>>) src(%arg10 : memref<64x128xf32, #tpu.memory_space<vmem>>) dst(%dma_wait3A_233 : memref<64x128xf32, #tpu.memory_space<hbm>>)
      %add3A_234 = arith.constant 10 : i32
      %add3A_235 = arith.addi %add3A_208, %add3A_234 : i32
      %sub3A_236 = arith.constant 1 : i32
      %sub3A_237 = arith.subi %add3A_235, %sub3A_236 : i32
      %lt3A_238 = arith.constant 100 : i32
      %lt3A_239 = arith.cmpi slt, %sub3A_237, %lt3A_238 : i32
      %convert_element_type3A_240 = arith.extui %lt3A_239 : i1 to i32
      %cond3A_241 = arith.constant 0 : i32
      %cond3A_242 = arith.cmpi ne, %convert_element_type3A_240, %cond3A_241 : i32
      scf.if %cond3A_242 {
        %add3A_509 = arith.constant 10 : i32
        %add3A_510 = arith.addi %add3A_208, %add3A_509 : i32
        %sub3A_511 = arith.constant 1 : i32
        %sub3A_512 = arith.subi %add3A_510, %sub3A_511 : i32
        %mul3A_513 = arith.constant 64 : i32
        %mul3A_514 = arith.muli %sub3A_512, %mul3A_513 : i32
        %multiple_of3A_515 = tpu.assume_multiple %mul3A_514, 64 : i32
        %dma_start3A_516 = tpu.memref_slice %arg8[%multiple_of3A_515] : memref<6400xi32, #tpu.memory_space<vmem>> -> memref<64xi32, #tpu.memory_space<vmem>>
        %dma_start3A_517 = arith.constant 0 : i32
        %dma_start3A_518 = arith.constant 0 : i32
        %dma_start3A_519 = tpu.memref_slice %arg19[%dma_start3A_517, %dma_start3A_518] : memref<1000x128xf32, #tpu.memory_space<vmem_shared>> -> memref<1000x128xf32, #tpu.memory_space<vmem_shared>>
        tpu.enqueue_indirect_dma source(%dma_start3A_519 : memref<1000x128xf32, #tpu.memory_space<vmem_shared>>) target(%arg10 : memref<64x128xf32, #tpu.memory_space<vmem>>) offsets(%dma_start3A_516 : memref<64xi32, #tpu.memory_space<vmem>>) semaphore(%arg21 : memref<!tpu.dma_semaphore, #tpu.memory_space<semaphore_mem>>)
      } else {
      }
      %mul3A_243 = arith.constant 10 : i32
      %mul3A_244 = arith.muli %scan3A_140, %mul3A_243 : i32
      %add3A_245 = arith.constant 3 : i32
      %add3A_246 = arith.addi %mul3A_244, %add3A_245 : i32
      %mul3A_247 = arith.constant 64 : i32
      %mul3A_248 = arith.muli %add3A_246, %mul3A_247 : i32
      %multiple_of3A_249 = tpu.assume_multiple %mul3A_248, 64 : i32
      %dma_wait3A_250 = tpu.memref_slice %arg8[%multiple_of3A_249] : memref<6400xi32, #tpu.memory_space<vmem>> -> memref<64xi32, #tpu.memory_space<vmem>>
      %dma_wait3A_251 = arith.constant 0 : i32
      %dma_wait3A_252 = arith.constant 0 : i32
      %dma_wait3A_253 = tpu.memref_slice %arg19[%dma_wait3A_251, %dma_wait3A_252] : memref<1000x128xf32, #tpu.memory_space<vmem_shared>> -> memref<1000x128xf32, #tpu.memory_space<vmem_shared>>
      tpu.wait_indirect_dma semaphore(%arg23 : memref<!tpu.dma_semaphore, #tpu.memory_space<semaphore_mem>>) src(%dma_wait3A_253 : memref<1000x128xf32, #tpu.memory_space<vmem_shared>>) dst(%arg12 : memref<64x128xf32, #tpu.memory_space<vmem>>)
      %mul3A_254 = arith.constant 64 : i32
      %mul3A_255 = arith.muli %add3A_246, %mul3A_254 : i32
      %add3A_256 = arith.addi %mul3A_2, %mul3A_255 : i32
      %multiple_of3A_257 = tpu.assume_multiple %add3A_256, 64 : i32
      %dma_start3A_258 = arith.constant 0 : i32
      %dma_start3A_259 = tpu.memref_slice %arg7[%multiple_of3A_257, %dma_start3A_258] : memref<204800x128xf32, #tpu.memory_space<hbm>> -> memref<64x128xf32, #tpu.memory_space<hbm>>
      %dma_start3A_260 = arith.constant 0 : i32
      %dma_start3A_261 = tpu.memref_slice %arg7[%multiple_of3A_257, %dma_start3A_260] : memref<204800x128xf32, #tpu.memory_space<hbm>> -> memref<64x128xf32, #tpu.memory_space<hbm>>
      tpu.enqueue_dma source(%arg12 : memref<64x128xf32, #tpu.memory_space<vmem>>) target(%dma_start3A_261 : memref<64x128xf32, #tpu.memory_space<hbm>>) target_semaphore(%arg33 : memref<!tpu.dma_semaphore, #tpu.memory_space<semaphore_mem>>)
      %sub3A_262 = arith.constant 1 : i32
      %sub3A_263 = arith.subi %add3A_246, %sub3A_262 : i32
      %mul3A_264 = arith.constant 64 : i32
      %mul3A_265 = arith.muli %sub3A_263, %mul3A_264 : i32
      %add3A_266 = arith.addi %mul3A_2, %mul3A_265 : i32
      %multiple_of3A_267 = tpu.assume_multiple %add3A_266, 64 : i32
      %dma_wait3A_268 = arith.constant 0 : i32
      %dma_wait3A_269 = tpu.memref_slice %arg7[%multiple_of3A_267, %dma_wait3A_268] : memref<204800x128xf32, #tpu.memory_space<hbm>> -> memref<64x128xf32, #tpu.memory_space<hbm>>
      %dma_wait3A_270 = arith.constant 0 : i32
      %dma_wait3A_271 = tpu.memref_slice %arg7[%multiple_of3A_267, %dma_wait3A_270] : memref<204800x128xf32, #tpu.memory_space<hbm>> -> memref<64x128xf32, #tpu.memory_space<hbm>>
      tpu.wait_dma2 semaphore(%arg32 : memref<!tpu.dma_semaphore, #tpu.memory_space<semaphore_mem>>) src(%arg11 : memref<64x128xf32, #tpu.memory_space<vmem>>) dst(%dma_wait3A_271 : memref<64x128xf32, #tpu.memory_space<hbm>>)
      %add3A_272 = arith.constant 10 : i32
      %add3A_273 = arith.addi %add3A_246, %add3A_272 : i32
      %sub3A_274 = arith.constant 1 : i32
      %sub3A_275 = arith.subi %add3A_273, %sub3A_274 : i32
      %lt3A_276 = arith.constant 100 : i32
      %lt3A_277 = arith.cmpi slt, %sub3A_275, %lt3A_276 : i32
      %convert_element_type3A_278 = arith.extui %lt3A_277 : i1 to i32
      %cond3A_279 = arith.constant 0 : i32
      %cond3A_280 = arith.cmpi ne, %convert_element_type3A_278, %cond3A_279 : i32
      scf.if %cond3A_280 {
        %add3A_509 = arith.constant 10 : i32
        %add3A_510 = arith.addi %add3A_246, %add3A_509 : i32
        %sub3A_511 = arith.constant 1 : i32
        %sub3A_512 = arith.subi %add3A_510, %sub3A_511 : i32
        %mul3A_513 = arith.constant 64 : i32
        %mul3A_514 = arith.muli %sub3A_512, %mul3A_513 : i32
        %multiple_of3A_515 = tpu.assume_multiple %mul3A_514, 64 : i32
        %dma_start3A_516 = tpu.memref_slice %arg8[%multiple_of3A_515] : memref<6400xi32, #tpu.memory_space<vmem>> -> memref<64xi32, #tpu.memory_space<vmem>>
        %dma_start3A_517 = arith.constant 0 : i32
        %dma_start3A_518 = arith.constant 0 : i32
        %dma_start3A_519 = tpu.memref_slice %arg19[%dma_start3A_517, %dma_start3A_518] : memref<1000x128xf32, #tpu.memory_space<vmem_shared>> -> memref<1000x128xf32, #tpu.memory_space<vmem_shared>>
        tpu.enqueue_indirect_dma source(%dma_start3A_519 : memref<1000x128xf32, #tpu.memory_space<vmem_shared>>) target(%arg11 : memref<64x128xf32, #tpu.memory_space<vmem>>) offsets(%dma_start3A_516 : memref<64xi32, #tpu.memory_space<vmem>>) semaphore(%arg22 : memref<!tpu.dma_semaphore, #tpu.memory_space<semaphore_mem>>)
      } else {
      }
      %mul3A_281 = arith.constant 10 : i32
      %mul3A_282 = arith.muli %scan3A_140, %mul3A_281 : i32
      %add3A_283 = arith.constant 4 : i32
      %add3A_284 = arith.addi %mul3A_282, %add3A_283 : i32
      %mul3A_285 = arith.constant 64 : i32
      %mul3A_286 = arith.muli %add3A_284, %mul3A_285 : i32
      %multiple_of3A_287 = tpu.assume_multiple %mul3A_286, 64 : i32
      %dma_wait3A_288 = tpu.memref_slice %arg8[%multiple_of3A_287] : memref<6400xi32, #tpu.memory_space<vmem>> -> memref<64xi32, #tpu.memory_space<vmem>>
      %dma_wait3A_289 = arith.constant 0 : i32
      %dma_wait3A_290 = arith.constant 0 : i32
      %dma_wait3A_291 = tpu.memref_slice %arg19[%dma_wait3A_289, %dma_wait3A_290] : memref<1000x128xf32, #tpu.memory_space<vmem_shared>> -> memref<1000x128xf32, #tpu.memory_space<vmem_shared>>
      tpu.wait_indirect_dma semaphore(%arg24 : memref<!tpu.dma_semaphore, #tpu.memory_space<semaphore_mem>>) src(%dma_wait3A_291 : memref<1000x128xf32, #tpu.memory_space<vmem_shared>>) dst(%arg13 : memref<64x128xf32, #tpu.memory_space<vmem>>)
      %mul3A_292 = arith.constant 64 : i32
      %mul3A_293 = arith.muli %add3A_284, %mul3A_292 : i32
      %add3A_294 = arith.addi %mul3A_2, %mul3A_293 : i32
      %multiple_of3A_295 = tpu.assume_multiple %add3A_294, 64 : i32
      %dma_start3A_296 = arith.constant 0 : i32
      %dma_start3A_297 = tpu.memref_slice %arg7[%multiple_of3A_295, %dma_start3A_296] : memref<204800x128xf32, #tpu.memory_space<hbm>> -> memref<64x128xf32, #tpu.memory_space<hbm>>
      %dma_start3A_298 = arith.constant 0 : i32
      %dma_start3A_299 = tpu.memref_slice %arg7[%multiple_of3A_295, %dma_start3A_298] : memref<204800x128xf32, #tpu.memory_space<hbm>> -> memref<64x128xf32, #tpu.memory_space<hbm>>
      tpu.enqueue_dma source(%arg13 : memref<64x128xf32, #tpu.memory_space<vmem>>) target(%dma_start3A_299 : memref<64x128xf32, #tpu.memory_space<hbm>>) target_semaphore(%arg34 : memref<!tpu.dma_semaphore, #tpu.memory_space<semaphore_mem>>)
      %sub3A_300 = arith.constant 1 : i32
      %sub3A_301 = arith.subi %add3A_284, %sub3A_300 : i32
      %mul3A_302 = arith.constant 64 : i32
      %mul3A_303 = arith.muli %sub3A_301, %mul3A_302 : i32
      %add3A_304 = arith.addi %mul3A_2, %mul3A_303 : i32
      %multiple_of3A_305 = tpu.assume_multiple %add3A_304, 64 : i32
      %dma_wait3A_306 = arith.constant 0 : i32
      %dma_wait3A_307 = tpu.memref_slice %arg7[%multiple_of3A_305, %dma_wait3A_306] : memref<204800x128xf32, #tpu.memory_space<hbm>> -> memref<64x128xf32, #tpu.memory_space<hbm>>
      %dma_wait3A_308 = arith.constant 0 : i32
      %dma_wait3A_309 = tpu.memref_slice %arg7[%multiple_of3A_305, %dma_wait3A_308] : memref<204800x128xf32, #tpu.memory_space<hbm>> -> memref<64x128xf32, #tpu.memory_space<hbm>>
      tpu.wait_dma2 semaphore(%arg33 : memref<!tpu.dma_semaphore, #tpu.memory_space<semaphore_mem>>) src(%arg12 : memref<64x128xf32, #tpu.memory_space<vmem>>) dst(%dma_wait3A_309 : memref<64x128xf32, #tpu.memory_space<hbm>>)
      %add3A_310 = arith.constant 10 : i32
      %add3A_311 = arith.addi %add3A_284, %add3A_310 : i32
      %sub3A_312 = arith.constant 1 : i32
      %sub3A_313 = arith.subi %add3A_311, %sub3A_312 : i32
      %lt3A_314 = arith.constant 100 : i32
      %lt3A_315 = arith.cmpi slt, %sub3A_313, %lt3A_314 : i32
      %convert_element_type3A_316 = arith.extui %lt3A_315 : i1 to i32
      %cond3A_317 = arith.constant 0 : i32
      %cond3A_318 = arith.cmpi ne, %convert_element_type3A_316, %cond3A_317 : i32
      scf.if %cond3A_318 {
        %add3A_509 = arith.constant 10 : i32
        %add3A_510 = arith.addi %add3A_284, %add3A_509 : i32
        %sub3A_511 = arith.constant 1 : i32
        %sub3A_512 = arith.subi %add3A_510, %sub3A_511 : i32
        %mul3A_513 = arith.constant 64 : i32
        %mul3A_514 = arith.muli %sub3A_512, %mul3A_513 : i32
        %multiple_of3A_515 = tpu.assume_multiple %mul3A_514, 64 : i32
        %dma_start3A_516 = tpu.memref_slice %arg8[%multiple_of3A_515] : memref<6400xi32, #tpu.memory_space<vmem>> -> memref<64xi32, #tpu.memory_space<vmem>>
        %dma_start3A_517 = arith.constant 0 : i32
        %dma_start3A_518 = arith.constant 0 : i32
        %dma_start3A_519 = tpu.memref_slice %arg19[%dma_start3A_517, %dma_start3A_518] : memref<1000x128xf32, #tpu.memory_space<vmem_shared>> -> memref<1000x128xf32, #tpu.memory_space<vmem_shared>>
        tpu.enqueue_indirect_dma source(%dma_start3A_519 : memref<1000x128xf32, #tpu.memory_space<vmem_shared>>) target(%arg12 : memref<64x128xf32, #tpu.memory_space<vmem>>) offsets(%dma_start3A_516 : memref<64xi32, #tpu.memory_space<vmem>>) semaphore(%arg23 : memref<!tpu.dma_semaphore, #tpu.memory_space<semaphore_mem>>)
      } else {
      }
      %mul3A_319 = arith.constant 10 : i32
      %mul3A_320 = arith.muli %scan3A_140, %mul3A_319 : i32
      %add3A_321 = arith.constant 5 : i32
      %add3A_322 = arith.addi %mul3A_320, %add3A_321 : i32
      %mul3A_323 = arith.constant 64 : i32
      %mul3A_324 = arith.muli %add3A_322, %mul3A_323 : i32
      %multiple_of3A_325 = tpu.assume_multiple %mul3A_324, 64 : i32
      %dma_wait3A_326 = tpu.memref_slice %arg8[%multiple_of3A_325] : memref<6400xi32, #tpu.memory_space<vmem>> -> memref<64xi32, #tpu.memory_space<vmem>>
      %dma_wait3A_327 = arith.constant 0 : i32
      %dma_wait3A_328 = arith.constant 0 : i32
      %dma_wait3A_329 = tpu.memref_slice %arg19[%dma_wait3A_327, %dma_wait3A_328] : memref<1000x128xf32, #tpu.memory_space<vmem_shared>> -> memref<1000x128xf32, #tpu.memory_space<vmem_shared>>
      tpu.wait_indirect_dma semaphore(%arg25 : memref<!tpu.dma_semaphore, #tpu.memory_space<semaphore_mem>>) src(%dma_wait3A_329 : memref<1000x128xf32, #tpu.memory_space<vmem_shared>>) dst(%arg14 : memref<64x128xf32, #tpu.memory_space<vmem>>)
      %mul3A_330 = arith.constant 64 : i32
      %mul3A_331 = arith.muli %add3A_322, %mul3A_330 : i32
      %add3A_332 = arith.addi %mul3A_2, %mul3A_331 : i32
      %multiple_of3A_333 = tpu.assume_multiple %add3A_332, 64 : i32
      %dma_start3A_334 = arith.constant 0 : i32
      %dma_start3A_335 = tpu.memref_slice %arg7[%multiple_of3A_333, %dma_start3A_334] : memref<204800x128xf32, #tpu.memory_space<hbm>> -> memref<64x128xf32, #tpu.memory_space<hbm>>
      %dma_start3A_336 = arith.constant 0 : i32
      %dma_start3A_337 = tpu.memref_slice %arg7[%multiple_of3A_333, %dma_start3A_336] : memref<204800x128xf32, #tpu.memory_space<hbm>> -> memref<64x128xf32, #tpu.memory_space<hbm>>
      tpu.enqueue_dma source(%arg14 : memref<64x128xf32, #tpu.memory_space<vmem>>) target(%dma_start3A_337 : memref<64x128xf32, #tpu.memory_space<hbm>>) target_semaphore(%arg35 : memref<!tpu.dma_semaphore, #tpu.memory_space<semaphore_mem>>)
      %sub3A_338 = arith.constant 1 : i32
      %sub3A_339 = arith.subi %add3A_322, %sub3A_338 : i32
      %mul3A_340 = arith.constant 64 : i32
      %mul3A_341 = arith.muli %sub3A_339, %mul3A_340 : i32
      %add3A_342 = arith.addi %mul3A_2, %mul3A_341 : i32
      %multiple_of3A_343 = tpu.assume_multiple %add3A_342, 64 : i32
      %dma_wait3A_344 = arith.constant 0 : i32
      %dma_wait3A_345 = tpu.memref_slice %arg7[%multiple_of3A_343, %dma_wait3A_344] : memref<204800x128xf32, #tpu.memory_space<hbm>> -> memref<64x128xf32, #tpu.memory_space<hbm>>
      %dma_wait3A_346 = arith.constant 0 : i32
      %dma_wait3A_347 = tpu.memref_slice %arg7[%multiple_of3A_343, %dma_wait3A_346] : memref<204800x128xf32, #tpu.memory_space<hbm>> -> memref<64x128xf32, #tpu.memory_space<hbm>>
      tpu.wait_dma2 semaphore(%arg34 : memref<!tpu.dma_semaphore, #tpu.memory_space<semaphore_mem>>) src(%arg13 : memref<64x128xf32, #tpu.memory_space<vmem>>) dst(%dma_wait3A_347 : memref<64x128xf32, #tpu.memory_space<hbm>>)
      %add3A_348 = arith.constant 10 : i32
      %add3A_349 = arith.addi %add3A_322, %add3A_348 : i32
      %sub3A_350 = arith.constant 1 : i32
      %sub3A_351 = arith.subi %add3A_349, %sub3A_350 : i32
      %lt3A_352 = arith.constant 100 : i32
      %lt3A_353 = arith.cmpi slt, %sub3A_351, %lt3A_352 : i32
      %convert_element_type3A_354 = arith.extui %lt3A_353 : i1 to i32
      %cond3A_355 = arith.constant 0 : i32
      %cond3A_356 = arith.cmpi ne, %convert_element_type3A_354, %cond3A_355 : i32
      scf.if %cond3A_356 {
        %add3A_509 = arith.constant 10 : i32
        %add3A_510 = arith.addi %add3A_322, %add3A_509 : i32
        %sub3A_511 = arith.constant 1 : i32
        %sub3A_512 = arith.subi %add3A_510, %sub3A_511 : i32
        %mul3A_513 = arith.constant 64 : i32
        %mul3A_514 = arith.muli %sub3A_512, %mul3A_513 : i32
        %multiple_of3A_515 = tpu.assume_multiple %mul3A_514, 64 : i32
        %dma_start3A_516 = tpu.memref_slice %arg8[%multiple_of3A_515] : memref<6400xi32, #tpu.memory_space<vmem>> -> memref<64xi32, #tpu.memory_space<vmem>>
        %dma_start3A_517 = arith.constant 0 : i32
        %dma_start3A_518 = arith.constant 0 : i32
        %dma_start3A_519 = tpu.memref_slice %arg19[%dma_start3A_517, %dma_start3A_518] : memref<1000x128xf32, #tpu.memory_space<vmem_shared>> -> memref<1000x128xf32, #tpu.memory_space<vmem_shared>>
        tpu.enqueue_indirect_dma source(%dma_start3A_519 : memref<1000x128xf32, #tpu.memory_space<vmem_shared>>) target(%arg13 : memref<64x128xf32, #tpu.memory_space<vmem>>) offsets(%dma_start3A_516 : memref<64xi32, #tpu.memory_space<vmem>>) semaphore(%arg24 : memref<!tpu.dma_semaphore, #tpu.memory_space<semaphore_mem>>)
      } else {
      }
      %mul3A_357 = arith.constant 10 : i32
      %mul3A_358 = arith.muli %scan3A_140, %mul3A_357 : i32
      %add3A_359 = arith.constant 6 : i32
      %add3A_360 = arith.addi %mul3A_358, %add3A_359 : i32
      %mul3A_361 = arith.constant 64 : i32
      %mul3A_362 = arith.muli %add3A_360, %mul3A_361 : i32
      %multiple_of3A_363 = tpu.assume_multiple %mul3A_362, 64 : i32
      %dma_wait3A_364 = tpu.memref_slice %arg8[%multiple_of3A_363] : memref<6400xi32, #tpu.memory_space<vmem>> -> memref<64xi32, #tpu.memory_space<vmem>>
      %dma_wait3A_365 = arith.constant 0 : i32
      %dma_wait3A_366 = arith.constant 0 : i32
      %dma_wait3A_367 = tpu.memref_slice %arg19[%dma_wait3A_365, %dma_wait3A_366] : memref<1000x128xf32, #tpu.memory_space<vmem_shared>> -> memref<1000x128xf32, #tpu.memory_space<vmem_shared>>
      tpu.wait_indirect_dma semaphore(%arg26 : memref<!tpu.dma_semaphore, #tpu.memory_space<semaphore_mem>>) src(%dma_wait3A_367 : memref<1000x128xf32, #tpu.memory_space<vmem_shared>>) dst(%arg15 : memref<64x128xf32, #tpu.memory_space<vmem>>)
      %mul3A_368 = arith.constant 64 : i32
      %mul3A_369 = arith.muli %add3A_360, %mul3A_368 : i32
      %add3A_370 = arith.addi %mul3A_2, %mul3A_369 : i32
      %multiple_of3A_371 = tpu.assume_multiple %add3A_370, 64 : i32
      %dma_start3A_372 = arith.constant 0 : i32
      %dma_start3A_373 = tpu.memref_slice %arg7[%multiple_of3A_371, %dma_start3A_372] : memref<204800x128xf32, #tpu.memory_space<hbm>> -> memref<64x128xf32, #tpu.memory_space<hbm>>
      %dma_start3A_374 = arith.constant 0 : i32
      %dma_start3A_375 = tpu.memref_slice %arg7[%multiple_of3A_371, %dma_start3A_374] : memref<204800x128xf32, #tpu.memory_space<hbm>> -> memref<64x128xf32, #tpu.memory_space<hbm>>
      tpu.enqueue_dma source(%arg15 : memref<64x128xf32, #tpu.memory_space<vmem>>) target(%dma_start3A_375 : memref<64x128xf32, #tpu.memory_space<hbm>>) target_semaphore(%arg36 : memref<!tpu.dma_semaphore, #tpu.memory_space<semaphore_mem>>)
      %sub3A_376 = arith.constant 1 : i32
      %sub3A_377 = arith.subi %add3A_360, %sub3A_376 : i32
      %mul3A_378 = arith.constant 64 : i32
      %mul3A_379 = arith.muli %sub3A_377, %mul3A_378 : i32
      %add3A_380 = arith.addi %mul3A_2, %mul3A_379 : i32
      %multiple_of3A_381 = tpu.assume_multiple %add3A_380, 64 : i32
      %dma_wait3A_382 = arith.constant 0 : i32
      %dma_wait3A_383 = tpu.memref_slice %arg7[%multiple_of3A_381, %dma_wait3A_382] : memref<204800x128xf32, #tpu.memory_space<hbm>> -> memref<64x128xf32, #tpu.memory_space<hbm>>
      %dma_wait3A_384 = arith.constant 0 : i32
      %dma_wait3A_385 = tpu.memref_slice %arg7[%multiple_of3A_381, %dma_wait3A_384] : memref<204800x128xf32, #tpu.memory_space<hbm>> -> memref<64x128xf32, #tpu.memory_space<hbm>>
      tpu.wait_dma2 semaphore(%arg35 : memref<!tpu.dma_semaphore, #tpu.memory_space<semaphore_mem>>) src(%arg14 : memref<64x128xf32, #tpu.memory_space<vmem>>) dst(%dma_wait3A_385 : memref<64x128xf32, #tpu.memory_space<hbm>>)
      %add3A_386 = arith.constant 10 : i32
      %add3A_387 = arith.addi %add3A_360, %add3A_386 : i32
      %sub3A_388 = arith.constant 1 : i32
      %sub3A_389 = arith.subi %add3A_387, %sub3A_388 : i32
      %lt3A_390 = arith.constant 100 : i32
      %lt3A_391 = arith.cmpi slt, %sub3A_389, %lt3A_390 : i32
      %convert_element_type3A_392 = arith.extui %lt3A_391 : i1 to i32
      %cond3A_393 = arith.constant 0 : i32
      %cond3A_394 = arith.cmpi ne, %convert_element_type3A_392, %cond3A_393 : i32
      scf.if %cond3A_394 {
        %add3A_509 = arith.constant 10 : i32
        %add3A_510 = arith.addi %add3A_360, %add3A_509 : i32
        %sub3A_511 = arith.constant 1 : i32
        %sub3A_512 = arith.subi %add3A_510, %sub3A_511 : i32
        %mul3A_513 = arith.constant 64 : i32
        %mul3A_514 = arith.muli %sub3A_512, %mul3A_513 : i32
        %multiple_of3A_515 = tpu.assume_multiple %mul3A_514, 64 : i32
        %dma_start3A_516 = tpu.memref_slice %arg8[%multiple_of3A_515] : memref<6400xi32, #tpu.memory_space<vmem>> -> memref<64xi32, #tpu.memory_space<vmem>>
        %dma_start3A_517 = arith.constant 0 : i32
        %dma_start3A_518 = arith.constant 0 : i32
        %dma_start3A_519 = tpu.memref_slice %arg19[%dma_start3A_517, %dma_start3A_518] : memref<1000x128xf32, #tpu.memory_space<vmem_shared>> -> memref<1000x128xf32, #tpu.memory_space<vmem_shared>>
        tpu.enqueue_indirect_dma source(%dma_start3A_519 : memref<1000x128xf32, #tpu.memory_space<vmem_shared>>) target(%arg14 : memref<64x128xf32, #tpu.memory_space<vmem>>) offsets(%dma_start3A_516 : memref<64xi32, #tpu.memory_space<vmem>>) semaphore(%arg25 : memref<!tpu.dma_semaphore, #tpu.memory_space<semaphore_mem>>)
      } else {
      }
      %mul3A_395 = arith.constant 10 : i32
      %mul3A_396 = arith.muli %scan3A_140, %mul3A_395 : i32
      %add3A_397 = arith.constant 7 : i32
      %add3A_398 = arith.addi %mul3A_396, %add3A_397 : i32
      %mul3A_399 = arith.constant 64 : i32
      %mul3A_400 = arith.muli %add3A_398, %mul3A_399 : i32
      %multiple_of3A_401 = tpu.assume_multiple %mul3A_400, 64 : i32
      %dma_wait3A_402 = tpu.memref_slice %arg8[%multiple_of3A_401] : memref<6400xi32, #tpu.memory_space<vmem>> -> memref<64xi32, #tpu.memory_space<vmem>>
      %dma_wait3A_403 = arith.constant 0 : i32
      %dma_wait3A_404 = arith.constant 0 : i32
      %dma_wait3A_405 = tpu.memref_slice %arg19[%dma_wait3A_403, %dma_wait3A_404] : memref<1000x128xf32, #tpu.memory_space<vmem_shared>> -> memref<1000x128xf32, #tpu.memory_space<vmem_shared>>
      tpu.wait_indirect_dma semaphore(%arg27 : memref<!tpu.dma_semaphore, #tpu.memory_space<semaphore_mem>>) src(%dma_wait3A_405 : memref<1000x128xf32, #tpu.memory_space<vmem_shared>>) dst(%arg16 : memref<64x128xf32, #tpu.memory_space<vmem>>)
      %mul3A_406 = arith.constant 64 : i32
      %mul3A_407 = arith.muli %add3A_398, %mul3A_406 : i32
      %add3A_408 = arith.addi %mul3A_2, %mul3A_407 : i32
      %multiple_of3A_409 = tpu.assume_multiple %add3A_408, 64 : i32
      %dma_start3A_410 = arith.constant 0 : i32
      %dma_start3A_411 = tpu.memref_slice %arg7[%multiple_of3A_409, %dma_start3A_410] : memref<204800x128xf32, #tpu.memory_space<hbm>> -> memref<64x128xf32, #tpu.memory_space<hbm>>
      %dma_start3A_412 = arith.constant 0 : i32
      %dma_start3A_413 = tpu.memref_slice %arg7[%multiple_of3A_409, %dma_start3A_412] : memref<204800x128xf32, #tpu.memory_space<hbm>> -> memref<64x128xf32, #tpu.memory_space<hbm>>
      tpu.enqueue_dma source(%arg16 : memref<64x128xf32, #tpu.memory_space<vmem>>) target(%dma_start3A_413 : memref<64x128xf32, #tpu.memory_space<hbm>>) target_semaphore(%arg37 : memref<!tpu.dma_semaphore, #tpu.memory_space<semaphore_mem>>)
      %sub3A_414 = arith.constant 1 : i32
      %sub3A_415 = arith.subi %add3A_398, %sub3A_414 : i32
      %mul3A_416 = arith.constant 64 : i32
      %mul3A_417 = arith.muli %sub3A_415, %mul3A_416 : i32
      %add3A_418 = arith.addi %mul3A_2, %mul3A_417 : i32
      %multiple_of3A_419 = tpu.assume_multiple %add3A_418, 64 : i32
      %dma_wait3A_420 = arith.constant 0 : i32
      %dma_wait3A_421 = tpu.memref_slice %arg7[%multiple_of3A_419, %dma_wait3A_420] : memref<204800x128xf32, #tpu.memory_space<hbm>> -> memref<64x128xf32, #tpu.memory_space<hbm>>
      %dma_wait3A_422 = arith.constant 0 : i32
      %dma_wait3A_423 = tpu.memref_slice %arg7[%multiple_of3A_419, %dma_wait3A_422] : memref<204800x128xf32, #tpu.memory_space<hbm>> -> memref<64x128xf32, #tpu.memory_space<hbm>>
      tpu.wait_dma2 semaphore(%arg36 : memref<!tpu.dma_semaphore, #tpu.memory_space<semaphore_mem>>) src(%arg15 : memref<64x128xf32, #tpu.memory_space<vmem>>) dst(%dma_wait3A_423 : memref<64x128xf32, #tpu.memory_space<hbm>>)
      %add3A_424 = arith.constant 10 : i32
      %add3A_425 = arith.addi %add3A_398, %add3A_424 : i32
      %sub3A_426 = arith.constant 1 : i32
      %sub3A_427 = arith.subi %add3A_425, %sub3A_426 : i32
      %lt3A_428 = arith.constant 100 : i32
      %lt3A_429 = arith.cmpi slt, %sub3A_427, %lt3A_428 : i32
      %convert_element_type3A_430 = arith.extui %lt3A_429 : i1 to i32
      %cond3A_431 = arith.constant 0 : i32
      %cond3A_432 = arith.cmpi ne, %convert_element_type3A_430, %cond3A_431 : i32
      scf.if %cond3A_432 {
        %add3A_509 = arith.constant 10 : i32
        %add3A_510 = arith.addi %add3A_398, %add3A_509 : i32
        %sub3A_511 = arith.constant 1 : i32
        %sub3A_512 = arith.subi %add3A_510, %sub3A_511 : i32
        %mul3A_513 = arith.constant 64 : i32
        %mul3A_514 = arith.muli %sub3A_512, %mul3A_513 : i32
        %multiple_of3A_515 = tpu.assume_multiple %mul3A_514, 64 : i32
        %dma_start3A_516 = tpu.memref_slice %arg8[%multiple_of3A_515] : memref<6400xi32, #tpu.memory_space<vmem>> -> memref<64xi32, #tpu.memory_space<vmem>>
        %dma_start3A_517 = arith.constant 0 : i32
        %dma_start3A_518 = arith.constant 0 : i32
        %dma_start3A_519 = tpu.memref_slice %arg19[%dma_start3A_517, %dma_start3A_518] : memref<1000x128xf32, #tpu.memory_space<vmem_shared>> -> memref<1000x128xf32, #tpu.memory_space<vmem_shared>>
        tpu.enqueue_indirect_dma source(%dma_start3A_519 : memref<1000x128xf32, #tpu.memory_space<vmem_shared>>) target(%arg15 : memref<64x128xf32, #tpu.memory_space<vmem>>) offsets(%dma_start3A_516 : memref<64xi32, #tpu.memory_space<vmem>>) semaphore(%arg26 : memref<!tpu.dma_semaphore, #tpu.memory_space<semaphore_mem>>)
      } else {
      }
      %mul3A_433 = arith.constant 10 : i32
      %mul3A_434 = arith.muli %scan3A_140, %mul3A_433 : i32
      %add3A_435 = arith.constant 8 : i32
      %add3A_436 = arith.addi %mul3A_434, %add3A_435 : i32
      %mul3A_437 = arith.constant 64 : i32
      %mul3A_438 = arith.muli %add3A_436, %mul3A_437 : i32
      %multiple_of3A_439 = tpu.assume_multiple %mul3A_438, 64 : i32
      %dma_wait3A_440 = tpu.memref_slice %arg8[%multiple_of3A_439] : memref<6400xi32, #tpu.memory_space<vmem>> -> memref<64xi32, #tpu.memory_space<vmem>>
      %dma_wait3A_441 = arith.constant 0 : i32
      %dma_wait3A_442 = arith.constant 0 : i32
      %dma_wait3A_443 = tpu.memref_slice %arg19[%dma_wait3A_441, %dma_wait3A_442] : memref<1000x128xf32, #tpu.memory_space<vmem_shared>> -> memref<1000x128xf32, #tpu.memory_space<vmem_shared>>
      tpu.wait_indirect_dma semaphore(%arg28 : memref<!tpu.dma_semaphore, #tpu.memory_space<semaphore_mem>>) src(%dma_wait3A_443 : memref<1000x128xf32, #tpu.memory_space<vmem_shared>>) dst(%arg17 : memref<64x128xf32, #tpu.memory_space<vmem>>)
      %mul3A_444 = arith.constant 64 : i32
      %mul3A_445 = arith.muli %add3A_436, %mul3A_444 : i32
      %add3A_446 = arith.addi %mul3A_2, %mul3A_445 : i32
      %multiple_of3A_447 = tpu.assume_multiple %add3A_446, 64 : i32
      %dma_start3A_448 = arith.constant 0 : i32
      %dma_start3A_449 = tpu.memref_slice %arg7[%multiple_of3A_447, %dma_start3A_448] : memref<204800x128xf32, #tpu.memory_space<hbm>> -> memref<64x128xf32, #tpu.memory_space<hbm>>
      %dma_start3A_450 = arith.constant 0 : i32
      %dma_start3A_451 = tpu.memref_slice %arg7[%multiple_of3A_447, %dma_start3A_450] : memref<204800x128xf32, #tpu.memory_space<hbm>> -> memref<64x128xf32, #tpu.memory_space<hbm>>
      tpu.enqueue_dma source(%arg17 : memref<64x128xf32, #tpu.memory_space<vmem>>) target(%dma_start3A_451 : memref<64x128xf32, #tpu.memory_space<hbm>>) target_semaphore(%arg38 : memref<!tpu.dma_semaphore, #tpu.memory_space<semaphore_mem>>)
      %sub3A_452 = arith.constant 1 : i32
      %sub3A_453 = arith.subi %add3A_436, %sub3A_452 : i32
      %mul3A_454 = arith.constant 64 : i32
      %mul3A_455 = arith.muli %sub3A_453, %mul3A_454 : i32
      %add3A_456 = arith.addi %mul3A_2, %mul3A_455 : i32
      %multiple_of3A_457 = tpu.assume_multiple %add3A_456, 64 : i32
      %dma_wait3A_458 = arith.constant 0 : i32
      %dma_wait3A_459 = tpu.memref_slice %arg7[%multiple_of3A_457, %dma_wait3A_458] : memref<204800x128xf32, #tpu.memory_space<hbm>> -> memref<64x128xf32, #tpu.memory_space<hbm>>
      %dma_wait3A_460 = arith.constant 0 : i32
      %dma_wait3A_461 = tpu.memref_slice %arg7[%multiple_of3A_457, %dma_wait3A_460] : memref<204800x128xf32, #tpu.memory_space<hbm>> -> memref<64x128xf32, #tpu.memory_space<hbm>>
      tpu.wait_dma2 semaphore(%arg37 : memref<!tpu.dma_semaphore, #tpu.memory_space<semaphore_mem>>) src(%arg16 : memref<64x128xf32, #tpu.memory_space<vmem>>) dst(%dma_wait3A_461 : memref<64x128xf32, #tpu.memory_space<hbm>>)
      %add3A_462 = arith.constant 10 : i32
      %add3A_463 = arith.addi %add3A_436, %add3A_462 : i32
      %sub3A_464 = arith.constant 1 : i32
      %sub3A_465 = arith.subi %add3A_463, %sub3A_464 : i32
      %lt3A_466 = arith.constant 100 : i32
      %lt3A_467 = arith.cmpi slt, %sub3A_465, %lt3A_466 : i32
      %convert_element_type3A_468 = arith.extui %lt3A_467 : i1 to i32
      %cond3A_469 = arith.constant 0 : i32
      %cond3A_470 = arith.cmpi ne, %convert_element_type3A_468, %cond3A_469 : i32
      scf.if %cond3A_470 {
        %add3A_509 = arith.constant 10 : i32
        %add3A_510 = arith.addi %add3A_436, %add3A_509 : i32
        %sub3A_511 = arith.constant 1 : i32
        %sub3A_512 = arith.subi %add3A_510, %sub3A_511 : i32
        %mul3A_513 = arith.constant 64 : i32
        %mul3A_514 = arith.muli %sub3A_512, %mul3A_513 : i32
        %multiple_of3A_515 = tpu.assume_multiple %mul3A_514, 64 : i32
        %dma_start3A_516 = tpu.memref_slice %arg8[%multiple_of3A_515] : memref<6400xi32, #tpu.memory_space<vmem>> -> memref<64xi32, #tpu.memory_space<vmem>>
        %dma_start3A_517 = arith.constant 0 : i32
        %dma_start3A_518 = arith.constant 0 : i32
        %dma_start3A_519 = tpu.memref_slice %arg19[%dma_start3A_517, %dma_start3A_518] : memref<1000x128xf32, #tpu.memory_space<vmem_shared>> -> memref<1000x128xf32, #tpu.memory_space<vmem_shared>>
        tpu.enqueue_indirect_dma source(%dma_start3A_519 : memref<1000x128xf32, #tpu.memory_space<vmem_shared>>) target(%arg16 : memref<64x128xf32, #tpu.memory_space<vmem>>) offsets(%dma_start3A_516 : memref<64xi32, #tpu.memory_space<vmem>>) semaphore(%arg27 : memref<!tpu.dma_semaphore, #tpu.memory_space<semaphore_mem>>)
      } else {
      }
      %mul3A_471 = arith.constant 10 : i32
      %mul3A_472 = arith.muli %scan3A_140, %mul3A_471 : i32
      %add3A_473 = arith.constant 9 : i32
      %add3A_474 = arith.addi %mul3A_472, %add3A_473 : i32
      %mul3A_475 = arith.constant 64 : i32
      %mul3A_476 = arith.muli %add3A_474, %mul3A_475 : i32
      %multiple_of3A_477 = tpu.assume_multiple %mul3A_476, 64 : i32
      %dma_wait3A_478 = tpu.memref_slice %arg8[%multiple_of3A_477] : memref<6400xi32, #tpu.memory_space<vmem>> -> memref<64xi32, #tpu.memory_space<vmem>>
      %dma_wait3A_479 = arith.constant 0 : i32
      %dma_wait3A_480 = arith.constant 0 : i32
      %dma_wait3A_481 = tpu.memref_slice %arg19[%dma_wait3A_479, %dma_wait3A_480] : memref<1000x128xf32, #tpu.memory_space<vmem_shared>> -> memref<1000x128xf32, #tpu.memory_space<vmem_shared>>
      tpu.wait_indirect_dma semaphore(%arg29 : memref<!tpu.dma_semaphore, #tpu.memory_space<semaphore_mem>>) src(%dma_wait3A_481 : memref<1000x128xf32, #tpu.memory_space<vmem_shared>>) dst(%arg18 : memref<64x128xf32, #tpu.memory_space<vmem>>)
      %mul3A_482 = arith.constant 64 : i32
      %mul3A_483 = arith.muli %add3A_474, %mul3A_482 : i32
      %add3A_484 = arith.addi %mul3A_2, %mul3A_483 : i32
      %multiple_of3A_485 = tpu.assume_multiple %add3A_484, 64 : i32
      %dma_start3A_486 = arith.constant 0 : i32
      %dma_start3A_487 = tpu.memref_slice %arg7[%multiple_of3A_485, %dma_start3A_486] : memref<204800x128xf32, #tpu.memory_space<hbm>> -> memref<64x128xf32, #tpu.memory_space<hbm>>
      %dma_start3A_488 = arith.constant 0 : i32
      %dma_start3A_489 = tpu.memref_slice %arg7[%multiple_of3A_485, %dma_start3A_488] : memref<204800x128xf32, #tpu.memory_space<hbm>> -> memref<64x128xf32, #tpu.memory_space<hbm>>
      tpu.enqueue_dma source(%arg18 : memref<64x128xf32, #tpu.memory_space<vmem>>) target(%dma_start3A_489 : memref<64x128xf32, #tpu.memory_space<hbm>>) target_semaphore(%arg39 : memref<!tpu.dma_semaphore, #tpu.memory_space<semaphore_mem>>)
      %sub3A_490 = arith.constant 1 : i32
      %sub3A_491 = arith.subi %add3A_474, %sub3A_490 : i32
      %mul3A_492 = arith.constant 64 : i32
      %mul3A_493 = arith.muli %sub3A_491, %mul3A_492 : i32
      %add3A_494 = arith.addi %mul3A_2, %mul3A_493 : i32
      %multiple_of3A_495 = tpu.assume_multiple %add3A_494, 64 : i32
      %dma_wait3A_496 = arith.constant 0 : i32
      %dma_wait3A_497 = tpu.memref_slice %arg7[%multiple_of3A_495, %dma_wait3A_496] : memref<204800x128xf32, #tpu.memory_space<hbm>> -> memref<64x128xf32, #tpu.memory_space<hbm>>
      %dma_wait3A_498 = arith.constant 0 : i32
      %dma_wait3A_499 = tpu.memref_slice %arg7[%multiple_of3A_495, %dma_wait3A_498] : memref<204800x128xf32, #tpu.memory_space<hbm>> -> memref<64x128xf32, #tpu.memory_space<hbm>>
      tpu.wait_dma2 semaphore(%arg38 : memref<!tpu.dma_semaphore, #tpu.memory_space<semaphore_mem>>) src(%arg17 : memref<64x128xf32, #tpu.memory_space<vmem>>) dst(%dma_wait3A_499 : memref<64x128xf32, #tpu.memory_space<hbm>>)
      %add3A_500 = arith.constant 10 : i32
      %add3A_501 = arith.addi %add3A_474, %add3A_500 : i32
      %sub3A_502 = arith.constant 1 : i32
      %sub3A_503 = arith.subi %add3A_501, %sub3A_502 : i32
      %lt3A_504 = arith.constant 100 : i32
      %lt3A_505 = arith.cmpi slt, %sub3A_503, %lt3A_504 : i32
      %convert_element_type3A_506 = arith.extui %lt3A_505 : i1 to i32
      %cond3A_507 = arith.constant 0 : i32
      %cond3A_508 = arith.cmpi ne, %convert_element_type3A_506, %cond3A_507 : i32
      scf.if %cond3A_508 {
        %add3A_509 = arith.constant 10 : i32
        %add3A_510 = arith.addi %add3A_474, %add3A_509 : i32
        %sub3A_511 = arith.constant 1 : i32
        %sub3A_512 = arith.subi %add3A_510, %sub3A_511 : i32
        %mul3A_513 = arith.constant 64 : i32
        %mul3A_514 = arith.muli %sub3A_512, %mul3A_513 : i32
        %multiple_of3A_515 = tpu.assume_multiple %mul3A_514, 64 : i32
        %dma_start3A_516 = tpu.memref_slice %arg8[%multiple_of3A_515] : memref<6400xi32, #tpu.memory_space<vmem>> -> memref<64xi32, #tpu.memory_space<vmem>>
        %dma_start3A_517 = arith.constant 0 : i32
        %dma_start3A_518 = arith.constant 0 : i32
        %dma_start3A_519 = tpu.memref_slice %arg19[%dma_start3A_517, %dma_start3A_518] : memref<1000x128xf32, #tpu.memory_space<vmem_shared>> -> memref<1000x128xf32, #tpu.memory_space<vmem_shared>>
        tpu.enqueue_indirect_dma source(%dma_start3A_519 : memref<1000x128xf32, #tpu.memory_space<vmem_shared>>) target(%arg17 : memref<64x128xf32, #tpu.memory_space<vmem>>) offsets(%dma_start3A_516 : memref<64xi32, #tpu.memory_space<vmem>>) semaphore(%arg28 : memref<!tpu.dma_semaphore, #tpu.memory_space<semaphore_mem>>)
      } else {
      }
    }
    %scan3A_132 = arith.constant 10 : i32
    %add3A_133 = arith.constant 6336 : i32
    %add3A_134 = arith.addi %mul3A_2, %add3A_133 : i32
    %multiple_of3A_135 = tpu.assume_multiple %add3A_134, 64 : i32
    %dma_wait3A_136 = arith.constant 0 : i32
    %dma_wait3A_137 = tpu.memref_slice %arg7[%multiple_of3A_135, %dma_wait3A_136] : memref<204800x128xf32, #tpu.memory_space<hbm>> -> memref<64x128xf32, #tpu.memory_space<hbm>>
    %dma_wait3A_138 = arith.constant 0 : i32
    %dma_wait3A_139 = tpu.memref_slice %arg7[%multiple_of3A_135, %dma_wait3A_138] : memref<204800x128xf32, #tpu.memory_space<hbm>> -> memref<64x128xf32, #tpu.memory_space<hbm>>
    tpu.wait_dma2 semaphore(%arg39 : memref<!tpu.dma_semaphore, #tpu.memory_space<semaphore_mem>>) src(%arg18 : memref<64x128xf32, #tpu.memory_space<vmem>>) dst(%dma_wait3A_139 : memref<64x128xf32, #tpu.memory_space<hbm>>)
    return
  }
}

</mosaic_0001>

<sc_bundles>
// kernel: kernel.3.cloned.1.call-start
scs
__scs_entry_jumppad:
0x0: {  	(pc) =	sbr.rel $0x88, $3  }
0x1: {  	(tag) =	ssettag $0x0;
	lr =	simm.s32 $0x1  }
0x2: {  	[smem:$0x3F9D] =	sst lr;
	_ =	strace $0xD0000000  }
0x3: {  	_ = 	snop  }
0x4: {  	_ = 	snop  }
0x5: {  	_ = 	snop  }
0x6: {  	_ = 	snop  }
0x7: {  	_ = 	snop  }
__scs_overlays_trampoline_lowered:
0x8: {  	[smem:$0x3FAC] =	sst s0  }
0x9: {  	[smem:$0x3FAD] =	sst s1  }
0xa: {  	[smem:$0x3FAE] =	sst s2  }
0xb: {  	[smem:$0x3FAF] =	sst s3  }
0xc: {  	[smem:$0x3FB0] =	sst s4  }
0xd: {  	[smem:$0x3FB1] =	sst s5  }
0xe: {  	[smem:$0x3FB2] =	sst s6  }
0xf: {  	[smem:$0x3FB3] =	sst s7  }
0x10: {  	[smem:$0x3FB4] =	sst s8  }
0x11: {  	[smem:$0x3FB5] =	sst s9;
	s0 =	simm.s32 @!p0 $0x0  }
0x12: {  	s1 =	sld [smem:$0x3F9B];
	s0 =	simm.s32 @p0 $0x1  }
0x13: {  	[smem:$0x3FB6] =	sst s0;
	s0 =	simm.s32 @!p1 $0x0  }
0x14: {  	s2 =	sld [smem:$0x3F9A];
	s0 =	simm.s32 @p1 $0x1  }
0x15: {  	[smem:$0x3FB7] =	sst s0;
	s0 =	simm.s32 @!p2 $0x0  }
0x16: {  	s3 =	sld [smem:$0x3FDB];
	s0 =	simm.s32 @p2 $0x1  }
0x17: {  	s4 =	simm.s32 $0x1BF5;
	[smem:$0x3FB9] =	sst s0  }
0x18: {  	s0 =	sld [smem:$0x3F9C];
	_ =	swait.ge [sflag:s4], $0x0  }
0x19: {  	s7 =	sld [smem:$0x3F9D]  }
0x1a: {  	s8 =	sadd.s32 $0xFFFFE003, lr  }
0x1b: {  	s9 =	sadd.s32 $0xFFFFFEF7, lr;
	s5 =	simm.s32 $0xFFFFFFFF;
	p2 =	slt.u32 s8, $0xFFFFF086  }
0x1c: {  	p1 =	slt.u32 s9, $0xF7A;
	s5 =	simm.s32 @!p2 $0x0  }
0x1d: {  	s5 =	simm.s32 @p1 $0x1;
	p0 =	seq.s32 s7, s2  }
0x1e: {  	s7 =	smul.u32 @!p0 $0xF7A, s2;
	p2 =	seq.s32 @!p0 s5, $0x0  }
0x1f: {  	s9 =	smul.u32 $0xF7A, s1;
	s8 =	simm.s32 @!p0 $0x1BF5;
	p2 =	por !p2, p0  }
0x20: {  	[sflag:s8] =	ssyncset.s32 @!p0 $0xFFFFF086;
	s6 =	sadd.s32 @!p0 s3, s7;
	s7 =	simm.s32 @!p0 $0x108  }
0x21: {  	s3 =	sadd.s32 s3, s9;
	s6 =	sadd.s32 @!p0 $0x88, s6;
	s7 =	simm.s32 @p2 $0x1082  }
0x22: {  	[simem:s7], [sflag:s8] =	dma.local @!p0 [hbm:s6], $0xF7A  }
0x23: {  	s9 =	sor.u32 $0xD0000000, s2;
	s6 =	simm.s32 $0x108;
	_ =	swait.ge @!p0 [sflag:s8], $0x0  }
0x24: {  	s3 =	sadd.s32 $0x88, s3;
	s6 =	simm.s32 @!p1 $0x1082;
	[sflag:s4] =	ssyncset.s32 $0xFFFFF086  }
0x25: {  	[simem:s6], [sflag:s4] =	dma.local [hbm:s3], $0xF7A  }
0x26: {  	[smem:$0x3F9D] =	sst s1;
	(tag) =	ssettag s2;
	_ =	strace s9  }
0x27: {  	s1 =	sld [smem:$0x3FAD]  }
0x28: {  	s2 =	sld [smem:$0x3FAE]  }
0x29: {  	s4 =	sld [smem:$0x3FB0]  }
0x2a: {  	p0 =	seq.s32 s5, $0x0;
	s5 =	sld [smem:$0x3FB1]  }
0x2b: {  	s6 =	sld [smem:$0x3FB2]  }
0x2c: {  	s7 =	sld [smem:$0x3FB3]  }
0x2d: {  	s3 =	simm.s32 $0x108;
	s8 =	sld [smem:$0x3FB4]  }
0x2e: {  	s3 =	simm.s32 @!p0 $0x1082;
	s9 =	sld [smem:$0x3FB5]  }
0x2f: {  	lr =	sadd.s32 s0, s3;
	s0 =	sld [smem:$0x3FAC]  }
0x30: {  	s3 =	sld [smem:$0x3FAF]  }
0x31: {  	[smem:$0x3FB8] =	sst s10  }
0x32: {  	s10 =	sld [smem:$0x3FB6];
	_ =	sdelay $0x3  }
0x33: {  	p0 =	seq.s32 s10, $0x1;
	s10 =	sld [smem:$0x3FB8];
	_ =	sdelay $0x3  }
0x34: {  	[smem:$0x3FB8] =	sst s10  }
0x35: {  	s10 =	sld [smem:$0x3FB7];
	_ =	sdelay $0x3  }
0x36: {  	p1 =	seq.s32 s10, $0x1;
	s10 =	sld [smem:$0x3FB8];
	_ =	sdelay $0x3  }
0x37: {  	[smem:$0x3FB8] =	sst s10  }
0x38: {  	s10 =	sld [smem:$0x3FB9]  }
0x39: {  	_ = 	snop;
	(pc) =	sbr.ind lr, $3  }
0x3a: {  	_ = 	snop  }
0x3b: {  	_ = 	snop  }
0x3c: {  	p2 =	seq.s32 s10, $0x1;
	s10 =	sld [smem:$0x3FB8]  }
0x3d: {  	_ =	shalt  }
0x3e: {  	_ =	shalt  }
0x3f: {  	_ =	shalt  }
0x40: {  	_ =	shalt  }
0x41: {  	_ =	shalt  }
0x42: {  	_ =	shalt  }
0x43: {  	_ =	shalt  }
0x44: {  	_ =	shalt  }
0x45: {  	_ =	shalt  }
0x46: {  	_ =	shalt  }
0x47: {  	_ =	shalt  }
0x48: {  	_ =	shalt  }
0x49: {  	_ =	shalt  }
0x4a: {  	_ =	shalt  }
0x4b: {  	_ =	shalt  }
0x4c: {  	_ =	shalt  }
0x4d: {  	_ =	shalt  }
0x4e: {  	_ =	shalt  }
0x4f: {  	_ =	shalt  }
0x50: {  	_ =	shalt  }
0x51: {  	_ =	shalt  }
0x52: {  	_ =	shalt  }
0x53: {  	_ =	shalt  }
0x54: {  	_ =	shalt  }
0x55: {  	_ =	shalt  }
0x56: {  	_ =	shalt  }
0x57: {  	_ =	shalt  }
0x58: {  	_ =	shalt  }
0x59: {  	_ =	shalt  }
0x5a: {  	_ =	shalt  }
0x5b: {  	_ =	shalt  }
0x5c: {  	_ =	shalt  }
0x5d: {  	_ =	shalt  }
0x5e: {  	_ =	shalt  }
0x5f: {  	_ =	shalt  }
0x60: {  	_ =	shalt  }
0x61: {  	_ =	shalt  }
0x62: {  	_ =	shalt  }
0x63: {  	_ =	shalt  }
0x64: {  	_ =	shalt  }
0x65: {  	_ =	shalt  }
0x66: {  	_ =	shalt  }
0x67: {  	_ =	shalt  }
0x68: {  	_ =	shalt  }
0x69: {  	_ =	shalt  }
0x6a: {  	_ =	shalt  }
0x6b: {  	_ =	shalt  }
0x6c: {  	_ =	shalt  }
0x6d: {  	_ =	shalt  }
0x6e: {  	_ =	shalt  }
0x6f: {  	_ =	shalt  }
0x70: {  	_ =	shalt  }
0x71: {  	_ =	shalt  }
0x72: {  	_ =	shalt  }
0x73: {  	_ =	shalt  }
0x74: {  	_ =	shalt  }
0x75: {  	_ =	shalt  }
0x76: {  	_ =	shalt  }
0x77: {  	_ =	shalt  }
0x78: {  	_ =	shalt  }
0x79: {  	_ =	shalt  }
0x7a: {  	_ =	shalt  }
0x7b: {  	_ =	shalt  }
0x7c: {  	_ =	shalt  }
0x7d: {  	_ =	shalt  }
0x7e: {  	_ =	shalt  }
0x7f: {  	_ =	shalt  }
0x80: {  	_ =	shalt  }
0x81: {  	_ =	shalt  }
0x82: {  	_ =	shalt  }
0x83: {  	_ =	shalt  }
0x84: {  	_ =	shalt  }
0x85: {  	_ =	shalt  }
0x86: {  	_ =	shalt  }
0x87: {  	_ =	shalt  }
.Lfunc_end0:
.L_simem_size_0:
called_computation_lowered:
.L_overlay_start_0:
0x88: {  	s2 =	sld [smem:$0x3FD9]  }
0x89: {  	s3 =	sld [smem:$0x3FFE];
	_ =	sdelay $0x1  }
0x8a: {  	s1 =	srdreg.scid  }
0x8b: {  	s0 =	sand.u32 $0x1, s1  }
0x8c: {  	s14 =	sshll.u32 s0, $0xA;
	s2 =	sadd.s32 s3, s2  }
0x8d: {  	s2 =	sadd.s32 s2, s14  }
0x8e: {  	[smem:$0x3FC4] =	sst s2  }
0x8f: {  	_ = 	snop  }
0x90: {  	s2 =	sld [smem:$0x3FD0];
	_ =	sdelay $0x1  }
0x91: {  	s15 =	sld [smem:$0x3FC7]  }
0x92: {  	s5 =	simm.s32 $0xA;
	s6 =	simm.s32 $0x10;
	s4 =	sld [smem:$0x3FC6]  }
0x93: {  	[smem:s6], [sflag:s5] =	dma.local [hbm:s2], $0x1  }
0x94: {  	_ =	swait.eq [sflag:s5], $0x1  }
0x95: {  	[sflag:s5] =	ssyncset.done $0x0  }
0x96: {  	s16 =	sld [smem:$0x10];
	[sflag:s5] =	ssyncadd.s32 $0xFFFFFFFF  }
0x97: {  	s17 =	sld [smem:$0x11];
	(tm) =	ssettm $0x1  }
0x98: {  	s18 =	sld [smem:$0x3FFB];
	_ =	sdelay $0x3  }
0x99: {  	_ =	strace s18  }
0x9a: {  	s6 =	sld [smem:$0x3FFC];
	_ =	sdelay $0x3  }
0x9b: {  	_ =	strace s6  }
0x9c: {  	s6 =	sld [smem:$0x3FFD];
	_ =	sdelay $0x3  }
0x9d: {  	_ =	strace s6  }
0x9e: {  	_ =	strace $0x8FFFFFFF  }
0x9f: {  	s19 =	sld [smem:$0x3FDB];
	_ =	sdelay $0x1  }
0xa0: {  	s7 =	simm.s32 $_scs_section_size  }
0xa1: {  	s8 =	simm.s32 $_size__tile_overlayer_lowered;
	s9 =	simm.s32 $_tile_overlayer_lowered  }
0xa2: {  	s22 =	simm.s32 $0x1BFF;
	s21 =	sshll.u32 s9, $0x1;
	s6 =	sadd.s32 s7, s19  }
0xa3: {  	s10 =	simm.s32 $0x0;
	s20 =	sshll.u32 s8, $0x1;
	s8 =	sadd.s32 s21, s6  }
0xa4: {  	[timem:s10], [sflag:s22] =	dma.local [hbm:s8], s20  }
0xa5: {  	_ =	swait.ge [sflag:s22], s20  }
0xa6: {  	s7 =	ssub.s32 $0x0, s20;
	[sflag:s22] =	ssyncset.done $0x0  }
0xa7: {  	[sflag:s22] =	ssyncadd.s32 s7;
	_ =	sdelay $0x1  }
0xa8: {  	s23 =	simm.s32 $0x1B8B  }
0xa9: {  	_ =	swait.ge [sflag:s23], $0x1  }
0xaa: {  	[sflag:s23] =	ssyncset.done $0x0  }
0xab: {  	s25 =	simm.s32 $0x1B8E;
	s24 =	sld [smem:$0x3FFE];
	[sflag:s23] =	ssyncadd.s32 $0xFFFFFFFF  }
0xac: {  	s26 =	simm.s32 $execute0_lowered;
	[smem:$0x3FD2] =	sst s25  }
0xad: {  	s8 =	sshll.u32 s26, $0x1;
	_ =	strace $0x80000046;
	[dreg:$0x1] =	wrdreg $0xFFFFFFFF  }
0xae: {  	s28 =	simm.s32 $_size_execute0_lowered;
	s6 =	sadd.s32 s6, s8;
	[dreg:$0x0] =	wrdreg $0x0  }
0xaf: {  	s8 =	sshll.u32 s28, $0x1;
	[dreg:$0x2] =	wrdreg s6  }
0xb0: {  	[dreg:$0x3] =	wrdreg s8  }
0xb1: {  	[dreg:$0x4] =	wrdreg $0xC0  }
0xb2: {  	_ =	task [dreg:s10], $0x5FFFF  }
0xb3: {  	[dreg:$0x1] =	wrdreg $0xFFFFFFFF  }
0xb4: {  	[dreg:$0x0] =	wrdreg $0x60  }
0xb5: {  	[dreg:$0x2] =	wrdreg s24  }
0xb6: {  	[dreg:$0x3] =	wrdreg s15  }
0xb7: {  	[dreg:$0x4] =	wrdreg s4  }
0xb8: {  	[dreg:$0x5] =	wrdreg s16  }
0xb9: {  	[dreg:$0x6] =	wrdreg s17  }
0xba: {  	[dreg:$0x7] =	wrdreg $0x159000  }
0xbb: {  	[dreg:$0x8] =	wrdreg $0x9  }
0xbc: {  	_ =	task.clear_ibuf [dreg:s10], $0x9FFFF;
	_ =	strace $0x90000046  }
0xbd: {  	s29 =	simm.s32 $0x9;
	_ =	strace $0x80000048  }
0xbe: {  	_ =	swait.ge [sflag:s29], $0x1  }
0xbf: {  	[sflag:s29] =	ssyncadd.s32 $0xFFFFFFFF  }
0xc0: {  	_ =	strace $0x90000048  }
0xc1: {  	_ =	sfence  }
0xc2: {  	s30 =	sld [smem:$0x0];
	_ =	sdelay $0x2  }
0xc3: {  	s31 =	sshll.u32 s1, $0xD;
	s1 =	sshrl.u32 s1, $0x2  }
0xc4: {  	s3 =	sand.u32 $0x4000, s31;
	s1 =	sadd.s32 s1, s30  }
0xc5: {  	s0 =	sor.u32 s3, s0;
	s1 =	sshll.u32 s1, $0x11  }
0xc6: {  	s0 =	sor.u32 s1, s0  }
0xc7: {  	s0 =	sadd.s32 $0x8F2B, s0  }
0xc8: {  	[sflag:s0] =	ssyncadd.remote.s32 $0x1  }
0xc9: {  	_ =	sfence.sel $0xFFFF  }
0xca: {  	[dreg:$0x0] =	wrdreg $0xFFFFFFFF;
	(pc) =	sbr.abs _section_cstart, $3  }
0xcb: {  	[dreg:$0x1] =	wrdreg $0xFFFFFFFF  }
0xcc: {  	_ =	task.clear_ibuf [dreg:s10], $0x2FFFF;
	_ =	strace $0x9FFFFFFF  }
0xcd: {  	(tm) =	ssettm $0x7FFFFFFF  }
tec
execute0_lowered:
.L_overlay_start_1:
0x0: {  	(tag) =	ssettag $0x1  }
0x1: {  	s1 =	rddreg [dreg:$0x0]  }
0x2: {  	s0 =	rddreg [dreg:$0x1]  }
0x3: {  	s2 =	rddreg [dreg:$0x3]  }
0x4: {  	s5 =	rddreg [dreg:$0x4];
	s4 =	srdreg.scid  }
0x5: {  	s6 =	stileid.u32;
	s3 =	rddreg [dreg:$0x5];
	s12 =	simm.s32 $0x40  }
0x6: {  	s29 =	simm.s32 $0x11900;
	s30 =	simm.s32 $0x1;
	s31 =	simm.s32 $0x13900  }
0x7: {  	s15 =	simm.s32 $0xD;
	s17 =	simm.s32 $0x6;
	s19 =	simm.s32 $0x7  }
0x8: {  	s28 =	simm.s32 $0x9;
	s13 =	simm.s32 $0xA;
	s14 =	simm.s32 $0x13  }
0x9: {  	s20 =	simm.s32 $0x0;
	s7 =	sand.u32 $0x1, s4;
	s8 =	sshll.u32 s6, $0x1  }
0xa: {  	s4 =	simm.s32 $0x0;
	s11 =	smul.u32 $0x32000, s6;
	p0 =	sne.s32 s6, $0x0  }
0xb: {  	s8 =	sor.u32 s7, s8;
	s9 =	ssub.s32 $0x2, s7;
	s7 =	smul.u32 $0x19000, s7  }
0xc: {  	s6 =	simm.s32 $0xC;
	[smem:$0x7FF] =	sst s4;
	s8 =	smul.u32 $0x1900, s8  }
0xd: {  	_ =	strace $0x80000047;
	s10 =	sshrl.u32 s9, $0x1;
	s23 =	sadd.s32 s11, s2  }
0xe: {  	s25 =	sadd.s32 s11, s5;
	s2 =	simm.s32 $0x2;
	s5 =	simm.s32 $0x3  }
0xf: {  	s11 =	simm.s32 $0x12;
	s21 =	ssub.s32 s9, s10;
	s26 =	sadd.s32 s7, s25  }
0x10: {  	s10 =	simm.s32 $0xE;
	s9 =	simm.s32 $0xF;
	s8 =	sshrl.u32 s8, $0x3  }
0x11: {  	s25 =	simm.s32 $0x11;
	s24 =	smax.u32 s21, $0x1;
	s1 =	sadd.s32 s8, s1  }
0x12: {  	[dreg:$0x9] =	wrdreg s24;
	s22 =	sadd.s32 $0x600, s1;
	s1 =	sadd.s32 $0x6A00, s1  }
.Ltmp0:
0x13: {  	[dreg:$0x8] =	wrdreg s1;
	s1 =	sadd.s32 s7, s23;
	(pc) =	sbr.rel .LBB2_1-.Ltmp0, $4  }
0x14: {  	s21 =	simm.s32 $0x10;
	[dreg:$0x7] =	wrdreg s22;
	s1 =	sadd.s32 $0x2400, s1  }
0x15: {  	s8 =	simm.s32 $0x5;
	[dreg:$0xa] =	wrdreg s1;
	s1 =	sadd.s32 $0x2400, s26  }
0x16: {  	s7 =	simm.s32 $0x4;
	[dreg:$0xb] =	wrdreg s1;
	s1 =	sshrl.u32 @!p0 s3, $0x3  }
0x17: {  	s23 =	simm.s32 $0x8;
	[dreg:$0xc] =	wrdreg s1;
	s1 =	simm.s32 $0xB  }
.LBB2_7:
0x18: {  	s18 =	simm.s32 $0x14  }
0x19: {  	_ =	swait.ge [sflag:s18], $0x2000  }
0x1a: {  	s20 =	rddreg [dreg:$0xd]  }
0x1b: {  	s16 =	rddreg [dreg:$0x9];
	s20 =	sadd.s32 $0x1, s20  }
0x1c: {  	p1 =	sne.s32 s20, s16  }
.Ltmp1:
0x1d: {  	_ = 	snop;
	(pc) =	sbr.rel @!p1 .LBB2_8-.Ltmp1, $3  }
0x1e: {  	_ =	sdelay $0x1  }
0x1f: {  	[sflag:s18] =	ssyncset.done $0x0  }
0x20: {  	[sflag:s18] =	ssyncadd.s32 $0xFFFFE000  }
.LBB2_1:
0x21: {  	[dreg:$0xd] =	wrdreg s20  }
0x22: {  	s18 =	rddreg [dreg:$0x2]  }
0x23: {  	s16 =	simm.s32 @!p0 $0x1C15;
	s20 =	rddreg [dreg:$0xc]  }
0x24: {  	[spmem:s20], [sflag:s16] =	dma.local @!p0 [hbm:s18], $0x3E80  }
0x25: {  	s24 =	simm.s32 $0x16;
	s16 =	rddreg [dreg:$0x7]  }
0x26: {  	[tilespmem:s4], [sflag:$0x16] =	stream.linear.gather [hbm4b:s16+s4], $0x1900, $0x38;
	[tilespmem:$0x17840] =	vst v63  }
0x27: {  	_ =	swait.ge [sflag:s24], $0x1900  }
0x28: {  	[sflag:s24] =	ssyncset.done $0x0  }
0x29: {  	s26 =	simm.s32 $0x1900;
	[sflag:s24] =	ssyncadd.s32 $0xFFFFE700  }
0x2a: {  	[tilespmem:s26], [sflag:$0x1] =	stream.indirect.gather [hbm4b:s0+s12], $0x80, s4, s12, $0xb8;
	[tilespmem:$0x17840] =	vst v63  }
0x2b: {  	s18 =	simm.s32 $0x3900  }
0x2c: {  	[tilespmem:s18], [sflag:$0x2] =	stream.indirect.gather [hbm4b:s0+s12], $0x80, s12, s12, $0xb8;
	[tilespmem:$0x17840] =	vst v63  }
0x2d: {  	s22 =	simm.s32 $0x5900;
	s20 =	simm.s32 $0x80  }
0x2e: {  	[tilespmem:s22], [sflag:$0x3] =	stream.indirect.gather [hbm4b:s0+s12], $0x80, s20, s12, $0xb8;
	[tilespmem:$0x17840] =	vst v63  }
0x2f: {  	s24 =	simm.s32 $0xC0;
	s26 =	simm.s32 $0x7900  }
0x30: {  	[tilespmem:s26], [sflag:$0x4] =	stream.indirect.gather [hbm4b:s0+s12], $0x80, s24, s12, $0xb8;
	[tilespmem:$0x17840] =	vst v63  }
0x31: {  	s20 =	simm.s32 $0x100;
	s22 =	simm.s32 $0x9900  }
0x32: {  	[tilespmem:s22], [sflag:$0x5] =	stream.indirect.gather [hbm4b:s0+s12], $0x80, s20, s12, $0xb8;
	[tilespmem:$0x17840] =	vst v63  }
0x33: {  	s24 =	simm.s32 $0x140;
	s26 =	simm.s32 $0xB900  }
0x34: {  	[tilespmem:s26], [sflag:$0x6] =	stream.indirect.gather [hbm4b:s0+s12], $0x80, s24, s12, $0xb8;
	[tilespmem:$0x17840] =	vst v63  }
0x35: {  	s18 =	simm.s32 $0x180;
	s20 =	simm.s32 $0xD900  }
0x36: {  	[tilespmem:s20], [sflag:$0x7] =	stream.indirect.gather [hbm4b:s0+s12], $0x80, s18, s12, $0xb8;
	[tilespmem:$0x17840] =	vst v63  }
0x37: {  	s22 =	simm.s32 $0x1C0;
	s24 =	simm.s32 $0xF900  }
0x38: {  	[tilespmem:s24], [sflag:$0x8] =	stream.indirect.gather [hbm4b:s0+s12], $0x80, s22, s12, $0xb8;
	[tilespmem:$0x17840] =	vst v63  }
0x39: {  	s16 =	rddreg [dreg:$0xa];
	s26 =	simm.s32 $0x200;
	s18 =	simm.s32 $0x0  }
0x3a: {  	[tilespmem:s29], [sflag:$0x9] =	stream.indirect.gather [hbm4b:s0+s12], $0x80, s26, s12, $0xb8;
	[tilespmem:$0x17840] =	vst v63  }
.LBB2_2:
0x3b: {  	_ =	swait.ge [sflag:s30], $0x2000  }
0x3c: {  	s20 =	sadd.s32 $0xFFFFDC00, s16;
	[sflag:s30] =	ssyncset.done $0x0  }
0x3d: {  	s22 =	simm.s32 $0x1900;
	p1 =	seq.s32 s18, $0x0;
	[sflag:s30] =	ssyncadd.s32 $0xFFFFE000  }
0x3e: {  	[hbm4b:s20+s4] =	stream.linear.scatter [tilespmem:s22], [sflag:$0xB], $0x2000, $0x38;
	[tilespmem:$0x17840] =	vst v63  }
0x3f: {  	s20 =	simm.s32 @!p1 $0x14  }
0x40: {  	s22 =	sshra.s32 @!p1 s18, $0x2;
	_ =	swait.ge @!p1 [sflag:s20], $0x2000  }
0x41: {  	s22 =	sadd.s32 @!p1 $0x240, s22;
	[sflag:s20] =	ssyncset.done @!p1 $0x0  }
0x42: {  	s22 =	simm.s32 @p1 $0x240;
	[sflag:s20] =	ssyncadd.s32 @!p1 $0xFFFFE000  }
0x43: {  	[tilespmem:s31], [sflag:$0xA] =	stream.indirect.gather [hbm4b:s0+s12], $0x80, s22, s12, $0xb8;
	[tilespmem:$0x17840] =	vst v63  }
0x44: {  	_ =	swait.ge [sflag:s2], $0x2000  }
0x45: {  	[sflag:s2] =	ssyncset.done $0x0  }
0x46: {  	s24 =	simm.s32 $0x3900;
	s22 =	sadd.s32 $0xFFFFE000, s16;
	[sflag:s2] =	ssyncadd.s32 $0xFFFFE000  }
0x47: {  	[hbm4b:s22+s4] =	stream.linear.scatter [tilespmem:s24], [sflag:$0xC], $0x2000, $0x38;
	[tilespmem:$0x17840] =	vst v63  }
0x48: {  	p1 =	seq.s32 s18, $0x5A00;
	_ =	swait.ge [sflag:s1], $0x2000  }
0x49: {  	s20 =	sshra.s32 @!p1 s18, $0x2;
	s26 =	simm.s32 @!p1 $0x1900;
	[sflag:s1] =	ssyncset.done $0x0  }
0x4a: {  	s24 =	sadd.s32 @!p1 $0x280, s20;
	s22 =	simm.s32 @!p1 $0x40;
	[sflag:s1] =	ssyncadd.s32 $0xFFFFE000  }
0x4b: {  	[tilespmem:s26], [sflag:$0x1] =	stream.indirect.gather @!p1 [hbm4b:s0+s22], $0x80, s24, s22, $0xb8;
	[tilespmem:$0x17840] =	vst v63  }
0x4c: {  	_ =	swait.ge [sflag:s5], $0x2000  }
0x4d: {  	[sflag:s5] =	ssyncset.done $0x0  }
0x4e: {  	s24 =	sadd.s32 $0xFFFFE400, s16;
	s26 =	simm.s32 $0x5900;
	[sflag:s5] =	ssyncadd.s32 $0xFFFFE000  }
0x4f: {  	[hbm4b:s24+s4] =	stream.linear.scatter [tilespmem:s26], [sflag:$0xD], $0x2000, $0x38;
	[tilespmem:$0x17840] =	vst v63  }
0x50: {  	_ =	swait.ge [sflag:s6], $0x2000  }
0x51: {  	[sflag:s6] =	ssyncset.done $0x0  }
0x52: {  	s24 =	sadd.s32 @!p1 $0x2C0, s20;
	s26 =	simm.s32 @!p1 $0x3900;
	[sflag:s6] =	ssyncadd.s32 $0xFFFFE000  }
0x53: {  	[tilespmem:s26], [sflag:$0x2] =	stream.indirect.gather @!p1 [hbm4b:s0+s22], $0x80, s24, s22, $0xb8;
	[tilespmem:$0x17840] =	vst v63  }
0x54: {  	_ =	swait.ge [sflag:s7], $0x2000  }
0x55: {  	[sflag:s7] =	ssyncset.done $0x0  }
0x56: {  	s24 =	sadd.s32 $0xFFFFE800, s16;
	s26 =	simm.s32 $0x7900;
	[sflag:s7] =	ssyncadd.s32 $0xFFFFE000  }
0x57: {  	[hbm4b:s24+s4] =	stream.linear.scatter [tilespmem:s26], [sflag:$0xE], $0x2000, $0x38;
	[tilespmem:$0x17840] =	vst v63  }
0x58: {  	_ =	swait.ge [sflag:s15], $0x2000  }
0x59: {  	[sflag:s15] =	ssyncset.done $0x0  }
0x5a: {  	s24 =	sadd.s32 @!p1 $0x300, s20;
	s26 =	simm.s32 @!p1 $0x5900;
	[sflag:s15] =	ssyncadd.s32 $0xFFFFE000  }
0x5b: {  	[tilespmem:s26], [sflag:$0x3] =	stream.indirect.gather @!p1 [hbm4b:s0+s22], $0x80, s24, s22, $0xb8;
	[tilespmem:$0x17840] =	vst v63  }
0x5c: {  	_ =	swait.ge [sflag:s8], $0x2000  }
0x5d: {  	[sflag:s8] =	ssyncset.done $0x0  }
0x5e: {  	s24 =	sadd.s32 $0xFFFFEC00, s16;
	s26 =	simm.s32 $0x9900;
	[sflag:s8] =	ssyncadd.s32 $0xFFFFE000  }
0x5f: {  	[hbm4b:s24+s4] =	stream.linear.scatter [tilespmem:s26], [sflag:$0xF], $0x2000, $0x38;
	[tilespmem:$0x17840] =	vst v63  }
0x60: {  	_ =	swait.ge [sflag:s10], $0x2000  }
0x61: {  	[sflag:s10] =	ssyncset.done $0x0  }
0x62: {  	s24 =	sadd.s32 @!p1 $0x340, s20;
	s26 =	simm.s32 @!p1 $0x7900;
	[sflag:s10] =	ssyncadd.s32 $0xFFFFE000  }
0x63: {  	[tilespmem:s26], [sflag:$0x4] =	stream.indirect.gather @!p1 [hbm4b:s0+s22], $0x80, s24, s22, $0xb8;
	[tilespmem:$0x17840] =	vst v63  }
0x64: {  	_ =	swait.ge [sflag:s17], $0x2000  }
0x65: {  	[sflag:s17] =	ssyncset.done $0x0  }
0x66: {  	s24 =	sadd.s32 $0xFFFFF000, s16;
	s26 =	simm.s32 $0xB900;
	[sflag:s17] =	ssyncadd.s32 $0xFFFFE000  }
0x67: {  	[hbm4b:s24+s4] =	stream.linear.scatter [tilespmem:s26], [sflag:$0x10], $0x2000, $0x38;
	[tilespmem:$0x17840] =	vst v63  }
0x68: {  	_ =	swait.ge [sflag:s9], $0x2000  }
0x69: {  	[sflag:s9] =	ssyncset.done $0x0  }
0x6a: {  	s24 =	sadd.s32 @!p1 $0x380, s20;
	s26 =	simm.s32 @!p1 $0x9900;
	[sflag:s9] =	ssyncadd.s32 $0xFFFFE000  }
0x6b: {  	[tilespmem:s26], [sflag:$0x5] =	stream.indirect.gather @!p1 [hbm4b:s0+s22], $0x80, s24, s22, $0xb8;
	[tilespmem:$0x17840] =	vst v63  }
0x6c: {  	_ =	swait.ge [sflag:s19], $0x2000  }
0x6d: {  	[sflag:s19] =	ssyncset.done $0x0  }
0x6e: {  	s24 =	sadd.s32 $0xFFFFF400, s16;
	s26 =	simm.s32 $0xD900;
	[sflag:s19] =	ssyncadd.s32 $0xFFFFE000  }
0x6f: {  	[hbm4b:s24+s4] =	stream.linear.scatter [tilespmem:s26], [sflag:$0x11], $0x2000, $0x38;
	[tilespmem:$0x17840] =	vst v63  }
0x70: {  	_ =	swait.ge [sflag:s21], $0x2000  }
0x71: {  	[sflag:s21] =	ssyncset.done $0x0  }
0x72: {  	s24 =	sadd.s32 @!p1 $0x3C0, s20;
	s26 =	simm.s32 @!p1 $0xB900;
	[sflag:s21] =	ssyncadd.s32 $0xFFFFE000  }
0x73: {  	[tilespmem:s26], [sflag:$0x6] =	stream.indirect.gather @!p1 [hbm4b:s0+s22], $0x80, s24, s22, $0xb8;
	[tilespmem:$0x17840] =	vst v63  }
0x74: {  	_ =	swait.ge [sflag:s23], $0x2000  }
0x75: {  	[sflag:s23] =	ssyncset.done $0x0  }
0x76: {  	s24 =	sadd.s32 $0xFFFFF800, s16;
	s26 =	simm.s32 $0xF900;
	[sflag:s23] =	ssyncadd.s32 $0xFFFFE000  }
0x77: {  	[hbm4b:s24+s4] =	stream.linear.scatter [tilespmem:s26], [sflag:$0x12], $0x2000, $0x38;
	[tilespmem:$0x17840] =	vst v63  }
0x78: {  	_ =	swait.ge [sflag:s25], $0x2000  }
0x79: {  	[sflag:s25] =	ssyncset.done $0x0  }
0x7a: {  	s24 =	sadd.s32 @!p1 $0x400, s20;
	s26 =	simm.s32 @!p1 $0xD900;
	[sflag:s25] =	ssyncadd.s32 $0xFFFFE000  }
0x7b: {  	[tilespmem:s26], [sflag:$0x7] =	stream.indirect.gather @!p1 [hbm4b:s0+s22], $0x80, s24, s22, $0xb8;
	[tilespmem:$0x17840] =	vst v63  }
0x7c: {  	_ =	swait.ge [sflag:s28], $0x2000  }
0x7d: {  	[sflag:s28] =	ssyncset.done $0x0  }
0x7e: {  	s26 =	sadd.s32 $0xFFFFFC00, s16;
	[sflag:s28] =	ssyncadd.s32 $0xFFFFE000  }
0x7f: {  	[hbm4b:s26+s4] =	stream.linear.scatter [tilespmem:s29], [sflag:$0x13], $0x2000, $0x38;
	[tilespmem:$0x17840] =	vst v63  }
0x80: {  	_ =	swait.ge [sflag:s11], $0x2000  }
0x81: {  	[sflag:s11] =	ssyncset.done $0x0  }
0x82: {  	s20 =	sadd.s32 @!p1 $0x440, s20;
	s24 =	simm.s32 @!p1 $0xF900;
	[sflag:s11] =	ssyncadd.s32 $0xFFFFE000  }
0x83: {  	[tilespmem:s24], [sflag:$0x8] =	stream.indirect.gather @!p1 [hbm4b:s0+s22], $0x80, s20, s22, $0xb8;
	[tilespmem:$0x17840] =	vst v63  }
0x84: {  	_ =	swait.ge [sflag:s13], $0x2000  }
0x85: {  	[sflag:s13] =	ssyncset.done $0x0  }
.Ltmp2:
0x86: {  	[sflag:s13] =	ssyncadd.s32 $0xFFFFE000;
	(pc) =	sbr.rel @p1 .LBB2_4-.Ltmp2, $4  }
0x87: {  	[hbm4b:s16+s4] =	stream.linear.scatter [tilespmem:s31], [sflag:$0x14], $0x2000, $0x38;
	[tilespmem:$0x17840] =	vst v63  }
0x88: {  	_ =	swait.ge [sflag:s14], $0x2000  }
0x89: {  	[sflag:s14] =	ssyncset.done $0x0  }
0x8a: {  	[sflag:s14] =	ssyncadd.s32 $0xFFFFE000  }
.Ltmp3:
0x8b: {  	(pc) =	sbr.rel .LBB2_2-.Ltmp3, $4  }
0x8c: {  	_ = 	snop  }
0x8d: {  	s20 =	sshra.s32 s18, $0x2  }
0x8e: {  	s18 =	sadd.s32 $0xA00, s18;
	s16 =	sadd.s32 $0x2800, s16;
	s20 =	sadd.s32 $0x480, s20  }
0x8f: {  	[tilespmem:s29], [sflag:$0x9] =	stream.indirect.gather [hbm4b:s0+s12], $0x80, s20, s12, $0xb8;
	[tilespmem:$0x17840] =	vst v63  }
.LBB2_4:
0x90: {  	s16 =	simm.s32 $0x14  }
0x91: {  	_ =	swait.ge [sflag:s16], $0x2000  }
0x92: {  	[sflag:s16] =	ssyncset.done $0x0  }
0x93: {  	[sflag:s16] =	ssyncadd.s32 $0xFFFFE000;
	s16 =	simm.s32 @!p0 $0x15  }
0x94: {  	_ =	swait.ge @!p0 [sflag:s16], $0x3E80  }
0x95: {  	[sflag:s16] =	ssyncset.done @!p0 $0x0  }
0x96: {  	[sflag:s16] =	ssyncadd.s32 @!p0 $0xFFFFC180  }
0x97: {  	[bflag:$0x0] =	sbarrier.arrive $0xFFFF  }
0x98: {  	s20 =	simm.s32 $0x16;
	s16 =	simm.s32 $0x0;
	s18 =	rddreg [dreg:$0x8]  }
0x99: {  	[tilespmem:s16], [sflag:$0x16] =	stream.linear.gather [hbm4b:s18+s16], $0x1900, $0x38;
	[tilespmem:$0x17840] =	vst v63  }
0x9a: {  	_ =	swait.ge [sflag:s20], $0x1900  }
0x9b: {  	[sflag:s20] =	ssyncset.done $0x0  }
0x9c: {  	s22 =	simm.s32 $0x1900;
	[sflag:s20] =	ssyncadd.s32 $0xFFFFE700  }
0x9d: {  	[tilespmem:s22], [sflag:$0x1] =	stream.indirect.gather [spmem:s3], $0x80, s16, s12, $0xb8;
	[tilespmem:$0x17840] =	vst v63  }
0x9e: {  	s24 =	simm.s32 $0x3900  }
0x9f: {  	[tilespmem:s24], [sflag:$0x2] =	stream.indirect.gather [spmem:s3], $0x80, s12, s12, $0xb8;
	[tilespmem:$0x17840] =	vst v63  }
0xa0: {  	s26 =	simm.s32 $0x80;
	s20 =	simm.s32 $0x5900  }
0xa1: {  	[tilespmem:s20], [sflag:$0x3] =	stream.indirect.gather [spmem:s3], $0x80, s26, s12, $0xb8;
	[tilespmem:$0x17840] =	vst v63  }
0xa2: {  	s22 =	simm.s32 $0x7900;
	s20 =	simm.s32 $0xC0  }
0xa3: {  	[tilespmem:s22], [sflag:$0x4] =	stream.indirect.gather [spmem:s3], $0x80, s20, s12, $0xb8;
	[tilespmem:$0x17840] =	vst v63  }
0xa4: {  	s24 =	simm.s32 $0x100;
	s26 =	simm.s32 $0x9900  }
0xa5: {  	[tilespmem:s26], [sflag:$0x5] =	stream.indirect.gather [spmem:s3], $0x80, s24, s12, $0xb8;
	[tilespmem:$0x17840] =	vst v63  }
0xa6: {  	s20 =	simm.s32 $0x140;
	s22 =	simm.s32 $0xB900  }
0xa7: {  	[tilespmem:s22], [sflag:$0x6] =	stream.indirect.gather [spmem:s3], $0x80, s20, s12, $0xb8;
	[tilespmem:$0x17840] =	vst v63  }
0xa8: {  	s24 =	simm.s32 $0x180;
	s26 =	simm.s32 $0xD900  }
0xa9: {  	[tilespmem:s26], [sflag:$0x7] =	stream.indirect.gather [spmem:s3], $0x80, s24, s12, $0xb8;
	[tilespmem:$0x17840] =	vst v63  }
0xaa: {  	s22 =	simm.s32 $0x1C0;
	s24 =	simm.s32 $0xF900  }
0xab: {  	[tilespmem:s24], [sflag:$0x8] =	stream.indirect.gather [spmem:s3], $0x80, s22, s12, $0xb8;
	[tilespmem:$0x17840] =	vst v63  }
0xac: {  	s18 =	rddreg [dreg:$0xb];
	s26 =	simm.s32 $0x200  }
0xad: {  	[tilespmem:s29], [sflag:$0x9] =	stream.indirect.gather [spmem:s3], $0x80, s26, s12, $0xb8;
	[tilespmem:$0x17840] =	vst v63  }
.LBB2_5:
0xae: {  	_ =	swait.ge [sflag:s30], $0x2000  }
0xaf: {  	s20 =	sadd.s32 $0xFFFFDC00, s18;
	[sflag:s30] =	ssyncset.done $0x0  }
0xb0: {  	s22 =	simm.s32 $0x1900;
	p1 =	seq.s32 s16, $0x0;
	[sflag:s30] =	ssyncadd.s32 $0xFFFFE000  }
0xb1: {  	[hbm4b:s20+s4] =	stream.linear.scatter [tilespmem:s22], [sflag:$0xB], $0x2000, $0x38;
	[tilespmem:$0x17840] =	vst v63  }
0xb2: {  	s20 =	simm.s32 @!p1 $0x14  }
0xb3: {  	s22 =	sshra.s32 @!p1 s16, $0x2;
	_ =	swait.ge @!p1 [sflag:s20], $0x2000  }
0xb4: {  	s22 =	sadd.s32 @!p1 $0x240, s22;
	[sflag:s20] =	ssyncset.done @!p1 $0x0  }
0xb5: {  	s22 =	simm.s32 @p1 $0x240;
	[sflag:s20] =	ssyncadd.s32 @!p1 $0xFFFFE000  }
0xb6: {  	[tilespmem:s31], [sflag:$0xA] =	stream.indirect.gather [spmem:s3], $0x80, s22, s12, $0xb8;
	[tilespmem:$0x17840] =	vst v63  }
0xb7: {  	_ =	swait.ge [sflag:s2], $0x2000  }
0xb8: {  	[sflag:s2] =	ssyncset.done $0x0  }
0xb9: {  	s24 =	simm.s32 $0x3900;
	s22 =	sadd.s32 $0xFFFFE000, s18;
	[sflag:s2] =	ssyncadd.s32 $0xFFFFE000  }
0xba: {  	[hbm4b:s22+s4] =	stream.linear.scatter [tilespmem:s24], [sflag:$0xC], $0x2000, $0x38;
	[tilespmem:$0x17840] =	vst v63  }
0xbb: {  	p1 =	seq.s32 s16, $0x5A00;
	_ =	swait.ge [sflag:s1], $0x2000  }
0xbc: {  	s20 =	sshra.s32 @!p1 s16, $0x2;
	s26 =	simm.s32 @!p1 $0x1900;
	[sflag:s1] =	ssyncset.done $0x0  }
0xbd: {  	s24 =	sadd.s32 @!p1 $0x280, s20;
	s22 =	simm.s32 @!p1 $0x40;
	[sflag:s1] =	ssyncadd.s32 $0xFFFFE000  }
0xbe: {  	[tilespmem:s26], [sflag:$0x1] =	stream.indirect.gather @!p1 [spmem:s3], $0x80, s24, s22, $0xb8;
	[tilespmem:$0x17840] =	vst v63  }
0xbf: {  	_ =	swait.ge [sflag:s5], $0x2000  }
0xc0: {  	[sflag:s5] =	ssyncset.done $0x0  }
0xc1: {  	s24 =	sadd.s32 $0xFFFFE400, s18;
	s26 =	simm.s32 $0x5900;
	[sflag:s5] =	ssyncadd.s32 $0xFFFFE000  }
0xc2: {  	[hbm4b:s24+s4] =	stream.linear.scatter [tilespmem:s26], [sflag:$0xD], $0x2000, $0x38;
	[tilespmem:$0x17840] =	vst v63  }
0xc3: {  	_ =	swait.ge [sflag:s6], $0x2000  }
0xc4: {  	[sflag:s6] =	ssyncset.done $0x0  }
0xc5: {  	s24 =	sadd.s32 @!p1 $0x2C0, s20;
	s26 =	simm.s32 @!p1 $0x3900;
	[sflag:s6] =	ssyncadd.s32 $0xFFFFE000  }
0xc6: {  	[tilespmem:s26], [sflag:$0x2] =	stream.indirect.gather @!p1 [spmem:s3], $0x80, s24, s22, $0xb8;
	[tilespmem:$0x17840] =	vst v63  }
0xc7: {  	_ =	swait.ge [sflag:s7], $0x2000  }
0xc8: {  	[sflag:s7] =	ssyncset.done $0x0  }
0xc9: {  	s24 =	sadd.s32 $0xFFFFE800, s18;
	s26 =	simm.s32 $0x7900;
	[sflag:s7] =	ssyncadd.s32 $0xFFFFE000  }
0xca: {  	[hbm4b:s24+s4] =	stream.linear.scatter [tilespmem:s26], [sflag:$0xE], $0x2000, $0x38;
	[tilespmem:$0x17840] =	vst v63  }
0xcb: {  	_ =	swait.ge [sflag:s15], $0x2000  }
0xcc: {  	[sflag:s15] =	ssyncset.done $0x0  }
0xcd: {  	s24 =	sadd.s32 @!p1 $0x300, s20;
	s26 =	simm.s32 @!p1 $0x5900;
	[sflag:s15] =	ssyncadd.s32 $0xFFFFE000  }
0xce: {  	[tilespmem:s26], [sflag:$0x3] =	stream.indirect.gather @!p1 [spmem:s3], $0x80, s24, s22, $0xb8;
	[tilespmem:$0x17840] =	vst v63  }
0xcf: {  	_ =	swait.ge [sflag:s8], $0x2000  }
0xd0: {  	[sflag:s8] =	ssyncset.done $0x0  }
0xd1: {  	s24 =	sadd.s32 $0xFFFFEC00, s18;
	s26 =	simm.s32 $0x9900;
	[sflag:s8] =	ssyncadd.s32 $0xFFFFE000  }
0xd2: {  	[hbm4b:s24+s4] =	stream.linear.scatter [tilespmem:s26], [sflag:$0xF], $0x2000, $0x38;
	[tilespmem:$0x17840] =	vst v63  }
0xd3: {  	_ =	swait.ge [sflag:s10], $0x2000  }
0xd4: {  	[sflag:s10] =	ssyncset.done $0x0  }
0xd5: {  	s24 =	sadd.s32 @!p1 $0x340, s20;
	s26 =	simm.s32 @!p1 $0x7900;
	[sflag:s10] =	ssyncadd.s32 $0xFFFFE000  }
0xd6: {  	[tilespmem:s26], [sflag:$0x4] =	stream.indirect.gather @!p1 [spmem:s3], $0x80, s24, s22, $0xb8;
	[tilespmem:$0x17840] =	vst v63  }
0xd7: {  	_ =	swait.ge [sflag:s17], $0x2000  }
0xd8: {  	[sflag:s17] =	ssyncset.done $0x0  }
0xd9: {  	s24 =	sadd.s32 $0xFFFFF000, s18;
	s26 =	simm.s32 $0xB900;
	[sflag:s17] =	ssyncadd.s32 $0xFFFFE000  }
0xda: {  	[hbm4b:s24+s4] =	stream.linear.scatter [tilespmem:s26], [sflag:$0x10], $0x2000, $0x38;
	[tilespmem:$0x17840] =	vst v63  }
0xdb: {  	_ =	swait.ge [sflag:s9], $0x2000  }
0xdc: {  	[sflag:s9] =	ssyncset.done $0x0  }
0xdd: {  	s24 =	sadd.s32 @!p1 $0x380, s20;
	s26 =	simm.s32 @!p1 $0x9900;
	[sflag:s9] =	ssyncadd.s32 $0xFFFFE000  }
0xde: {  	[tilespmem:s26], [sflag:$0x5] =	stream.indirect.gather @!p1 [spmem:s3], $0x80, s24, s22, $0xb8;
	[tilespmem:$0x17840] =	vst v63  }
0xdf: {  	_ =	swait.ge [sflag:s19], $0x2000  }
0xe0: {  	[sflag:s19] =	ssyncset.done $0x0  }
0xe1: {  	s24 =	sadd.s32 $0xFFFFF400, s18;
	s26 =	simm.s32 $0xD900;
	[sflag:s19] =	ssyncadd.s32 $0xFFFFE000  }
0xe2: {  	[hbm4b:s24+s4] =	stream.linear.scatter [tilespmem:s26], [sflag:$0x11], $0x2000, $0x38;
	[tilespmem:$0x17840] =	vst v63  }
0xe3: {  	_ =	swait.ge [sflag:s21], $0x2000  }
0xe4: {  	[sflag:s21] =	ssyncset.done $0x0  }
0xe5: {  	s24 =	sadd.s32 @!p1 $0x3C0, s20;
	s26 =	simm.s32 @!p1 $0xB900;
	[sflag:s21] =	ssyncadd.s32 $0xFFFFE000  }
0xe6: {  	[tilespmem:s26], [sflag:$0x6] =	stream.indirect.gather @!p1 [spmem:s3], $0x80, s24, s22, $0xb8;
	[tilespmem:$0x17840] =	vst v63  }
0xe7: {  	_ =	swait.ge [sflag:s23], $0x2000  }
0xe8: {  	[sflag:s23] =	ssyncset.done $0x0  }
0xe9: {  	s24 =	sadd.s32 $0xFFFFF800, s18;
	s26 =	simm.s32 $0xF900;
	[sflag:s23] =	ssyncadd.s32 $0xFFFFE000  }
0xea: {  	[hbm4b:s24+s4] =	stream.linear.scatter [tilespmem:s26], [sflag:$0x12], $0x2000, $0x38;
	[tilespmem:$0x17840] =	vst v63  }
0xeb: {  	_ =	swait.ge [sflag:s25], $0x2000  }
0xec: {  	[sflag:s25] =	ssyncset.done $0x0  }
0xed: {  	s24 =	sadd.s32 @!p1 $0x400, s20;
	s26 =	simm.s32 @!p1 $0xD900;
	[sflag:s25] =	ssyncadd.s32 $0xFFFFE000  }
0xee: {  	[tilespmem:s26], [sflag:$0x7] =	stream.indirect.gather @!p1 [spmem:s3], $0x80, s24, s22, $0xb8;
	[tilespmem:$0x17840] =	vst v63  }
0xef: {  	_ =	swait.ge [sflag:s28], $0x2000  }
0xf0: {  	[sflag:s28] =	ssyncset.done $0x0  }
0xf1: {  	s26 =	sadd.s32 $0xFFFFFC00, s18;
	[sflag:s28] =	ssyncadd.s32 $0xFFFFE000  }
0xf2: {  	[hbm4b:s26+s4] =	stream.linear.scatter [tilespmem:s29], [sflag:$0x13], $0x2000, $0x38;
	[tilespmem:$0x17840] =	vst v63  }
0xf3: {  	_ =	swait.ge [sflag:s11], $0x2000  }
0xf4: {  	[sflag:s11] =	ssyncset.done $0x0  }
0xf5: {  	s20 =	sadd.s32 @!p1 $0x440, s20;
	s24 =	simm.s32 @!p1 $0xF900;
	[sflag:s11] =	ssyncadd.s32 $0xFFFFE000  }
0xf6: {  	[tilespmem:s24], [sflag:$0x8] =	stream.indirect.gather @!p1 [spmem:s3], $0x80, s20, s22, $0xb8;
	[tilespmem:$0x17840] =	vst v63  }
0xf7: {  	_ =	swait.ge [sflag:s13], $0x2000  }
0xf8: {  	[sflag:s13] =	ssyncset.done $0x0  }
.Ltmp4:
0xf9: {  	[sflag:s13] =	ssyncadd.s32 $0xFFFFE000;
	(pc) =	sbr.rel @p1 .LBB2_7-.Ltmp4, $4  }
0xfa: {  	[hbm4b:s18+s4] =	stream.linear.scatter [tilespmem:s31], [sflag:$0x14], $0x2000, $0x38;
	[tilespmem:$0x17840] =	vst v63  }
0xfb: {  	_ =	swait.ge [sflag:s14], $0x2000  }
0xfc: {  	[sflag:s14] =	ssyncset.done $0x0  }
0xfd: {  	[sflag:s14] =	ssyncadd.s32 $0xFFFFE000  }
.Ltmp5:
0xfe: {  	(pc) =	sbr.rel .LBB2_5-.Ltmp5, $4  }
0xff: {  	_ = 	snop  }
0x100: {  	s20 =	sshra.s32 s16, $0x2  }
0x101: {  	s16 =	sadd.s32 $0xA00, s16;
	s18 =	sadd.s32 $0x2800, s18;
	s20 =	sadd.s32 $0x480, s20  }
0x102: {  	[tilespmem:s29], [sflag:$0x9] =	stream.indirect.gather [spmem:s3], $0x80, s20, s12, $0xb8;
	[tilespmem:$0x17840] =	vst v63  }
.LBB2_8:
0x103: {  	_ =	sfence.sel $0x180000  }
0x104: {  	[bflag:$0x0] =	sbarrier.arrive $0xFFFF  }
0x105: {  	_ =	strace $0x90000047  }
0x106: {  	[bflag:$0x2] =	sbarrier.arrive $0xFFFF  }
0x107: {  	s0 =	rddreg [dreg:$0x6]  }
0x108: {  	s0 =	sadd.s32 @!p0 $0x100000, s0  }
0x109: {  	[sflag:s0] =	ssyncadd.tile.s32 @!p0 $0x1;
	_ =	shalt  }
.Lfunc_end2:
_tile_overlayer_lowered:
.L_overlay_start_2:
0x10a: {  	(tag) =	ssettag $0x2  }
0x10b: {  	s0 =	rddreg [dreg:$0x0];
	s2 =	stileid.u32  }
0x10c: {  	s1 =	rddreg [dreg:$0x1];
	p0 =	sne.s32 s2, $0x0  }
0x10d: {  	s3 =	rddreg [dreg:$0x2];
	[bflag:$0x3] =	sbarrier.arrive $0xFFFF;
	s2 =	simm.s32 @!p0 $0x1C16  }
0x10e: {  	[timem:s3], [sflag:s2] =	dma.local @!p0 [hbm:s0], s1  }
0x10f: {  	s0 =	simm.s32 @!p0 $0x16  }
0x110: {  	_ =	swait.ge @!p0 [sflag:s0], s1  }
0x111: {  	s1 =	ssub.s32 @!p0 $0x0, s1;
	[sflag:s0] =	ssyncset.done @!p0 $0x0  }
0x112: {  	[sflag:s0] =	ssyncadd.s32 @!p0 s1  }
0x113: {  	[bflag:$0x3] =	sbarrier.arrive $0xFFFF  }
0x114: {  	_ =	shalt  }

</sc_bundles>
